<compile_context>
chip_gen: v7x
topology: tpu7x:2x2x1
jax: 0.10.2.dev20260603
libtpu: 0.0.44.dev20260713+nightly
codegen_flags: <defaults>
</compile_context>

<pallas_src>
import functools

import jax
import jax.numpy as jnp
from jax import lax
from jax.experimental import pallas as pl
from jax.experimental.pallas import tpu as pltpu
from jax.experimental.pallas import tpu_sc as plsc

B, C, H, W = 4, 192, 384, 384
OUT_H, OUT_W = 224, 224
P = OUT_H * OUT_W
NPIX = B * P
NW = 32
PIX_PER_W = NPIX // NW
CP = 4 * C
CHUNK = 56
NCHUNKS = PIX_PER_W // CHUNK


def _bf(v):
    return v.astype(jnp.bfloat16).astype(jnp.float32)


def _idx_kernel(theta_ref, ia_ref):
    b = pl.program_id(0)
    t = pl.program_id(1)
    r = (t * 1024
         + lax.broadcasted_iota(jnp.int32, (8, 128), 0) * 128
         + lax.broadcasted_iota(jnp.int32, (8, 128), 1)).astype(jnp.float32)
    i = jnp.floor((r + 0.5) * (1.0 / OUT_W))
    j = r - i * OUT_W
    xg = _bf(j * (2.0 / (OUT_W - 1)) - 1.0)
    yg = _bf(i * (2.0 / (OUT_H - 1)) - 1.0)
    t00 = _bf(theta_ref[0, 0, 0])
    t01 = _bf(theta_ref[0, 0, 1])
    t02 = _bf(theta_ref[0, 0, 2])
    t10 = _bf(theta_ref[0, 0, 3])
    t11 = _bf(theta_ref[0, 0, 4])
    t12 = _bf(theta_ref[0, 0, 5])
    xs = (t00 * xg + t01 * yg + t02 + 1.0) * ((W - 1) / 2.0)
    ys = (t10 * xg + t11 * yg + t12 + 1.0) * ((H - 1) / 2.0)
    x0 = jnp.floor(xs).astype(jnp.int32)
    y0 = jnp.floor(ys).astype(jnp.int32)
    x0c = jnp.clip(x0, 0, W - 1)
    x1c = jnp.clip(x0 + 1, 0, W - 1)
    y0c = jnp.clip(y0, 0, H - 1)
    y1c = jnp.clip(y0 + 1, 0, H - 1)
    base = b * (H * W)
    ia_ref[...] = base + y0c * W + x0c


def _make_indices(theta6):
    grid = (B, P // 1024)
    out_sd = jax.ShapeDtypeStruct((NPIX // 128, 128), jnp.int32)
    spec = pl.BlockSpec((8, 128), lambda b, t: (b * (P // 1024) + t, 0))
    return pl.pallas_call(
        _idx_kernel,
        grid=grid,
        in_specs=[pl.BlockSpec((1, 1, 6), lambda b, t: (b, 0, 0),
                               memory_space=pltpu.SMEM)],
        out_specs=spec,
        out_shape=out_sd,
    )(theta6)



def _w_kernel(theta_ref, w_ref):
    t = pl.program_id(1)
    r = (t * 1024
         + lax.broadcasted_iota(jnp.int32, (1024, 16), 0)).astype(jnp.float32)
    i = jnp.floor((r + 0.5) * (1.0 / OUT_W))
    j = r - i * OUT_W
    xg = _bf(j * (2.0 / (OUT_W - 1)) - 1.0)
    yg = _bf(i * (2.0 / (OUT_H - 1)) - 1.0)
    t00 = _bf(theta_ref[0, 0, 0])
    t01 = _bf(theta_ref[0, 0, 1])
    t02 = _bf(theta_ref[0, 0, 2])
    t10 = _bf(theta_ref[0, 0, 3])
    t11 = _bf(theta_ref[0, 0, 4])
    t12 = _bf(theta_ref[0, 0, 5])
    xs = (t00 * xg + t01 * yg + t02 + 1.0) * ((W - 1) / 2.0)
    ys = (t10 * xg + t11 * yg + t12 + 1.0) * ((H - 1) / 2.0)
    x0f = jnp.floor(xs)
    y0f = jnp.floor(ys)
    x0cf = jnp.clip(x0f, 0.0, W - 1.0)
    y0cf = jnp.clip(y0f, 0.0, H - 1.0)
    gx1 = xs - x0cf
    gx0 = (x0cf + 1.0) - xs
    gy1 = ys - y0cf
    gy0 = (y0cf + 1.0) - ys
    wa = gx0 * gy0
    wb = gx0 * gy1
    wc = gx1 * gy0
    wd = gx1 * gy1
    eqx = (jnp.clip(x0f + 1.0, 0.0, W - 1.0) == x0cf).astype(jnp.float32)
    eqy = (jnp.clip(y0f + 1.0, 0.0, H - 1.0) == y0cf).astype(jnp.float32)
    w_ref[:, 0:16] = wa + wc * eqx + wb * eqy + wd * (eqx * eqy)
    w_ref[:, 16:32] = (1.0 - eqx) * (wc + wd * eqy)
    w_ref[:, 32:48] = (1.0 - eqy) * (wb + wd * eqx)
    w_ref[:, 48:64] = (1.0 - eqx) * (1.0 - eqy) * wd


def _make_weights(theta6):
    grid = (B, P // 1024)
    return pl.pallas_call(
        _w_kernel,
        grid=grid,
        in_specs=[pl.BlockSpec((1, 1, 6), lambda b, t: (b, 0, 0),
                               memory_space=pltpu.SMEM)],
        out_specs=pl.BlockSpec((1024, 64), lambda b, t: (b * (P // 1024) + t, 0)),
        out_shape=jax.ShapeDtypeStruct((NPIX, 64), jnp.float32),
    )(theta6)



_HT = 8

def _tin_kernel(x_ref, xn_ref, xt_ref):
    blk = x_ref[0].reshape(C, _HT * W)
    tr = jnp.swapaxes(blk, 0, 1)
    nblk = xn_ref[0].reshape(C, _HT * W)
    down0 = jnp.swapaxes(nblk[:, :W], 0, 1)
    down = jnp.concatenate([tr[W:], down0], axis=0)
    right = jnp.concatenate([tr[1:], tr[:1]], axis=0)
    downright = jnp.concatenate([down[1:], down[:1]], axis=0)
    xt_ref[...] = jnp.concatenate([tr, right, down, downright], axis=1)


def _make_xt(x):
    grid = (B, H // _HT)
    return pl.pallas_call(
        _tin_kernel,
        grid=grid,
        in_specs=[pl.BlockSpec((1, C, _HT, W), lambda b, t: (b, 0, t, 0)),
                  pl.BlockSpec((1, C, _HT, W),
                               lambda b, t: (b, 0, jnp.minimum(t + 1, H // _HT - 1), 0))],
        out_specs=pl.BlockSpec((_HT * W, CP), lambda b, t: (b * (H // _HT) + t, 0)),
        out_shape=jax.ShapeDtypeStruct((B * H * W, CP), jnp.float32),
    )(x, x)



_PT = 512

def _tout_kernel(ot_ref, o_ref):
    o_ref[...] = jnp.swapaxes(ot_ref[...], 0, 1)[None]


def _make_out(out_t):
    grid = (B, P // _PT)
    return pl.pallas_call(
        _tout_kernel,
        grid=grid,
        in_specs=[pl.BlockSpec((_PT, C), lambda b, t: (b * (P // _PT) + t, 0))],
        out_specs=pl.BlockSpec((1, C, _PT), lambda b, t: (b, 0, t)),
        out_shape=jax.ShapeDtypeStruct((B, C, P), jnp.float32),
    )(out_t)



def _sc_body(xt_hbm, ia_hbm, w_hbm, out_hbm,
             idx_v, w_v, g_v, ob_v, isem, gsem, osem):
    wid = lax.axis_index("c") * 16 + lax.axis_index("s")
    wbase = wid * PIX_PER_W
    idx_hbms = (ia_hbm,)

    def fire_idx(ci, s):
        sl = pl.ds(wbase + ci * CHUNK, CHUNK)
        for q in range(1):
            pltpu.async_copy(idx_hbms[q].at[sl], idx_v[s][q], isem[s])

    def wait_idx(ci, s):
        sl = pl.ds(wbase + ci * CHUNK, CHUNK)
        for q in range(1):
            pltpu.make_async_copy(idx_hbms[q].at[sl], idx_v[s][q], isem[s]).wait()

    def fire_gathers(ci, s):
        for q in range(1):
            pltpu.async_copy(xt_hbm.at[idx_v[s][q]], g_v[s][q], gsem[s])
        pltpu.async_copy(w_hbm.at[pl.ds(wbase + ci * CHUNK, CHUNK)], w_v[s], gsem[s])

    def wait_gathers(ci, s):
        for q in range(1):
            pltpu.make_async_copy(xt_hbm.at[idx_v[s][q]], g_v[s][q], gsem[s]).wait()
        pltpu.make_async_copy(w_hbm.at[pl.ds(wbase + ci * CHUNK, CHUNK)], w_v[s],
                              gsem[s]).wait()

    def fire_flush(ci, s):
        pltpu.async_copy(ob_v[s], out_hbm.at[pl.ds(wbase + ci * CHUNK, CHUNK)],
                         osem[s])

    def wait_flush(ci, s):
        pltpu.make_async_copy(ob_v[s], out_hbm.at[pl.ds(wbase + ci * CHUNK, CHUNK)],
                              osem[s]).wait()

    def combine(s):
        ga = g_v[s][0]
        w = w_v[s]
        ob = ob_v[s]

        @pl.loop(0, CHUNK)
        def _pix(k):
            w0 = w[k, pl.ds(0, 16)]
            w1 = w[k, pl.ds(16, 16)]
            w2 = w[k, pl.ds(32, 16)]
            w3 = w[k, pl.ds(48, 16)]
            for j in range(C // 16):
                ob[k, pl.ds(16 * j, 16)] = (
                    ga[k, pl.ds(16 * j, 16)] * w0
                    + ga[k, pl.ds(C + 16 * j, 16)] * w1
                    + ga[k, pl.ds(2 * C + 16 * j, 16)] * w2
                    + ga[k, pl.ds(3 * C + 16 * j, 16)] * w3)

    def step(ci, s, so):
        @pl.when(ci + 1 < NCHUNKS)
        def _():
            wait_idx(ci + 1, so)
            fire_gathers(ci + 1, so)
        wait_gathers(ci, s)

        @pl.when(ci + 2 < NCHUNKS)
        def _():
            fire_idx(ci + 2, s)

        @pl.when(ci >= 2)
        def _():
            wait_flush(ci - 2, s)
        combine(s)
        fire_flush(ci, s)

    fire_idx(0, 0)
    fire_idx(1, 1)
    wait_idx(0, 0)
    fire_gathers(0, 0)

    @pl.loop(0, NCHUNKS, step=2)
    def _pair(ci):
        step(ci, 0, 1)
        step(ci + 1, 1, 0)

    wait_flush(NCHUNKS - 2, 0)
    wait_flush(NCHUNKS - 1, 1)


def _sc_sample(xt, ia, w):
    mesh = plsc.VectorSubcoreMesh(core_axis_name="c", subcore_axis_name="s")
    idx_t = [[pltpu.VMEM((CHUNK,), jnp.int32) for _ in range(1)] for _ in range(2)]
    g_t = [[pltpu.VMEM((CHUNK, CP), jnp.float32) for _ in range(1)] for _ in range(2)]
    kern = pl.kernel(
        _sc_body,
        mesh=mesh,
        out_type=jax.ShapeDtypeStruct((NPIX, C), jnp.float32),
        scratch_types=[
            idx_t,
            [pltpu.VMEM((CHUNK, 64), jnp.float32) for _ in range(2)],
            g_t,
            [pltpu.VMEM((CHUNK, C), jnp.float32) for _ in range(2)],
            [pltpu.SemaphoreType.DMA for _ in range(2)],
            [pltpu.SemaphoreType.DMA for _ in range(2)],
            [pltpu.SemaphoreType.DMA for _ in range(2)],
        ],
    )
    return kern(xt, ia, w)



@jax.jit
def kernel(x, theta):
    theta6 = theta.reshape(B, 1, 6)
    ia = _make_indices(theta6)
    w = _make_weights(theta6)
    xt = _make_xt(x)
    out_t = _sc_sample(xt, ia.reshape(NPIX), w)
    out = _make_out(out_t)
    return out.reshape(B, C, OUT_H, OUT_W)

# --- scband reference (transcript-rebuilt; emitter-appended) ---
"""Pipeline reference for scband-stn-33019708571793 (READ-ONLY COPY).

The authoritative reference and input builder live on the scoring server;
editing this copy changes nothing except your own understanding.
"""

import jax, jax.numpy as jnp
import numpy as np

OUT_H, OUT_W = 224, 224


def setup_inputs(seed: int = 0) -> dict:
    key = jax.random.key(seed)
    k1, k2 = jax.random.split(key)
    x = jax.random.normal(k1, (4, 192, 384, 384), dtype=jnp.float32)
    theta = jax.random.normal(k2, (4, 2, 3), dtype=jnp.float32)
    return {"x": x, "theta": theta}


def reference(x, theta):
    out_h, out_w = OUT_H, OUT_W
    B, C, H, W = x.shape
    # _crop_meshgrid
    x_t = jnp.tile(jnp.linspace(-1.0, 1.0, out_w), (out_h, 1))
    y_t = jnp.tile(jnp.linspace(-1.0, 1.0, out_h).reshape(-1, 1), (1, out_w))
    grid = jnp.concatenate(
        [x_t.reshape(1, -1), y_t.reshape(1, -1), jnp.ones((1, out_h * out_w), dtype=jnp.float32)],
        axis=0,
    )  # [3, out_h*out_w]
    grid_b = jnp.broadcast_to(grid[None], (B, 3, out_h * out_w))
    th = theta.reshape(-1, 2, 3)
    # batched matmul theta @ grid
    T_g = jnp.einsum('bij,bjn->bin', th, grid_b)  # [B, 2, out_h*out_w]
    xs = T_g[:, 0]
    ys = T_g[:, 1]
    # _interpolate
    xs = (xs + 1.0) * (W - 1) / 2.0
    ys = (ys + 1.0) * (H - 1) / 2.0
    x0 = jnp.floor(xs).astype(jnp.int32)
    y0 = jnp.floor(ys).astype(jnp.int32)
    x0c = jnp.clip(x0, 0, W - 1)
    x1c = jnp.clip(x0 + 1, 0, W - 1)
    y0c = jnp.clip(y0, 0, H - 1)
    y1c = jnp.clip(y0 + 1, 0, H - 1)
    im_flat = x.reshape(B, C, H * W)

    def gather(yi, xi):
        idx = (yi * W + xi)[:, None, :]
        idx = jnp.broadcast_to(idx, (B, C, out_h * out_w))
        return jnp.take_along_axis(im_flat, idx, axis=2)

    Ia = gather(y0c, x0c)
    Ib = gather(y1c, x0c)
    Ic = gather(y0c, x1c)
    Id = gather(y1c, x1c)
    x0_f = x0c.astype(jnp.float32)
    x1_f = (x0c + 1).astype(jnp.float32)
    y0_f = y0c.astype(jnp.float32)
    y1_f = (y0c + 1).astype(jnp.float32)
    wa = ((x1_f - xs) * (y1_f - ys))[:, None, :]
    wb = ((x1_f - xs) * (ys - y0_f))[:, None, :]
    wc = ((xs - x0_f) * (y1_f - ys))[:, None, :]
    wd = ((xs - x0_f) * (ys - y0_f))[:, None, :]
    out = Ia * wa + Ib * wb + Ic * wc + Id * wd
    return out.reshape(-1, C, out_h, out_w)

if __name__ == "__main__":
    import jax
    _d = setup_inputs()
    print(jax.jit(kernel)(*tuple(_d.values())))

</pallas_src>

<mosaic_0001>
#map = affine_map<(d0, d1) -> (0, 0)>
#map1 = affine_map<(d0, d1) -> (0)>
module attributes {stable_mosaic.version = 14 : i64} {
  func.func @_sc_body(%arg0: i32, %arg1: i32, %arg2: memref<589824x768xf32, #tpu.memory_space<hbm>>, %arg3: memref<200704xi32, #tpu.memory_space<hbm>>, %arg4: memref<200704x64xf32, #tpu.memory_space<hbm>>, %arg5: memref<200704x192xf32, #tpu.memory_space<hbm>>, %arg6: memref<56xi32, #tpu.memory_space<vmem>>, %arg7: memref<56xi32, #tpu.memory_space<vmem>>, %arg8: memref<56x64xf32, #tpu.memory_space<vmem>>, %arg9: memref<56x64xf32, #tpu.memory_space<vmem>>, %arg10: memref<56x768xf32, #tpu.memory_space<vmem>>, %arg11: memref<56x768xf32, #tpu.memory_space<vmem>>, %arg12: memref<56x192xf32, #tpu.memory_space<vmem>>, %arg13: memref<56x192xf32, #tpu.memory_space<vmem>>, %arg14: memref<!tpu.dma_semaphore, #tpu.memory_space<semaphore_mem>>, %arg15: memref<!tpu.dma_semaphore, #tpu.memory_space<semaphore_mem>>, %arg16: memref<!tpu.dma_semaphore, #tpu.memory_space<semaphore_mem>>, %arg17: memref<!tpu.dma_semaphore, #tpu.memory_space<semaphore_mem>>, %arg18: memref<!tpu.dma_semaphore, #tpu.memory_space<semaphore_mem>>, %arg19: memref<!tpu.dma_semaphore, #tpu.memory_space<semaphore_mem>>) attributes {dimension_semantics = [#tpu.dimension_semantics<core_parallel>, #tpu.dimension_semantics<subcore_parallel>], iteration_bounds = array<i64: 2, 16>, scalar_prefetch = 0 : i64, scratch_operands = 14 : i64, tpu.core_type = #tpu.core_type<sc_vector_subcore>, window_params = [{transform_indices = #map}, {transform_indices = #map1}, {transform_indices = #map}, {transform_indices = #map}]} {
    %mul3A = arith.constant 16 : i32
    %mul3A_0 = arith.muli %arg0, %mul3A : i32
    %add3A = arith.addi %mul3A_0, %arg1 : i32
    %mul3A_1 = arith.constant 6272 : i32
    %mul3A_2 = arith.muli %add3A, %mul3A_1 : i32
    %add3A_3 = arith.constant 0 : i32
    %add3A_4 = arith.addi %mul3A_2, %add3A_3 : i32
    %dma_start3A = tpu.memref_slice %arg3[%add3A_4] : memref<200704xi32, #tpu.memory_space<hbm>> -> memref<56xi32, #tpu.memory_space<hbm>>
    %dma_start3A_5 = tpu.memref_slice %arg3[%add3A_4] : memref<200704xi32, #tpu.memory_space<hbm>> -> memref<56xi32, #tpu.memory_space<hbm>>
    tpu.enqueue_dma source(%dma_start3A_5 : memref<56xi32, #tpu.memory_space<hbm>>) target(%arg6 : memref<56xi32, #tpu.memory_space<vmem>>) target_semaphore(%arg14 : memref<!tpu.dma_semaphore, #tpu.memory_space<semaphore_mem>>)
    %add3A_6 = arith.constant 56 : i32
    %add3A_7 = arith.addi %mul3A_2, %add3A_6 : i32
    %dma_start3A_8 = tpu.memref_slice %arg3[%add3A_7] : memref<200704xi32, #tpu.memory_space<hbm>> -> memref<56xi32, #tpu.memory_space<hbm>>
    %dma_start3A_9 = tpu.memref_slice %arg3[%add3A_7] : memref<200704xi32, #tpu.memory_space<hbm>> -> memref<56xi32, #tpu.memory_space<hbm>>
    tpu.enqueue_dma source(%dma_start3A_9 : memref<56xi32, #tpu.memory_space<hbm>>) target(%arg7 : memref<56xi32, #tpu.memory_space<vmem>>) target_semaphore(%arg15 : memref<!tpu.dma_semaphore, #tpu.memory_space<semaphore_mem>>)
    %add3A_10 = arith.constant 0 : i32
    %add3A_11 = arith.addi %mul3A_2, %add3A_10 : i32
    %dma_wait3A = tpu.memref_slice %arg3[%add3A_11] : memref<200704xi32, #tpu.memory_space<hbm>> -> memref<56xi32, #tpu.memory_space<hbm>>
    %dma_wait3A_12 = tpu.memref_slice %arg3[%add3A_11] : memref<200704xi32, #tpu.memory_space<hbm>> -> memref<56xi32, #tpu.memory_space<hbm>>
    tpu.wait_dma2 semaphore(%arg14 : memref<!tpu.dma_semaphore, #tpu.memory_space<semaphore_mem>>) src(%dma_wait3A_12 : memref<56xi32, #tpu.memory_space<hbm>>) dst(%arg6 : memref<56xi32, #tpu.memory_space<vmem>>)
    %dma_start3A_13 = arith.constant 0 : i32
    %dma_start3A_14 = arith.constant 0 : i32
    %dma_start3A_15 = tpu.memref_slice %arg2[%dma_start3A_13, %dma_start3A_14] : memref<589824x768xf32, #tpu.memory_space<hbm>> -> memref<589824x768xf32, #tpu.memory_space<hbm>>
    tpu.enqueue_indirect_dma source(%dma_start3A_15 : memref<589824x768xf32, #tpu.memory_space<hbm>>) target(%arg10 : memref<56x768xf32, #tpu.memory_space<vmem>>) offsets(%arg6 : memref<56xi32, #tpu.memory_space<vmem>>) semaphore(%arg16 : memref<!tpu.dma_semaphore, #tpu.memory_space<semaphore_mem>>)
    %add3A_16 = arith.constant 0 : i32
    %add3A_17 = arith.addi %mul3A_2, %add3A_16 : i32
    %dma_start3A_18 = arith.constant 0 : i32
    %dma_start3A_19 = tpu.memref_slice %arg4[%add3A_17, %dma_start3A_18] : memref<200704x64xf32, #tpu.memory_space<hbm>> -> memref<56x64xf32, #tpu.memory_space<hbm>>
    %dma_start3A_20 = arith.constant 0 : i32
    %dma_start3A_21 = tpu.memref_slice %arg4[%add3A_17, %dma_start3A_20] : memref<200704x64xf32, #tpu.memory_space<hbm>> -> memref<56x64xf32, #tpu.memory_space<hbm>>
    tpu.enqueue_dma source(%dma_start3A_21 : memref<56x64xf32, #tpu.memory_space<hbm>>) target(%arg8 : memref<56x64xf32, #tpu.memory_space<vmem>>) target_semaphore(%arg16 : memref<!tpu.dma_semaphore, #tpu.memory_space<semaphore_mem>>)
    %scan3A = arith.constant 0 : i32
    %scan3A_22 = arith.constant 56 : i32
    %scan3A_23 = arith.addi %scan3A, %scan3A_22 : i32
    %scan3A_24 = arith.constant 1 : i32
    scf.for %scan3A_38 = %scan3A to %scan3A_23 step %scan3A_24  : i32 {
      %mul3A_39 = arith.constant 2 : i32
      %mul3A_40 = arith.muli %scan3A_38, %mul3A_39 : i32
      %add3A_41 = arith.constant 0 : i32
      %add3A_42 = arith.addi %add3A_41, %mul3A_40 : i32
      %add3A_43 = arith.constant 1 : i32
      %add3A_44 = arith.addi %add3A_42, %add3A_43 : i32
      %lt3A = arith.constant 112 : i32
      %lt3A_45 = arith.cmpi slt, %add3A_44, %lt3A : i32
      %convert_element_type3A = arith.extui %lt3A_45 : i1 to i32
      %cond3A = arith.constant 0 : i32
      %cond3A_46 = arith.cmpi ne, %convert_element_type3A, %cond3A : i32
      scf.if %cond3A_46 {
        %add3A_123 = arith.constant 1 : i32
        %add3A_124 = arith.addi %add3A_42, %add3A_123 : i32
        %mul3A_125 = arith.constant 56 : i32
        %mul3A_126 = arith.muli %add3A_124, %mul3A_125 : i32
        %add3A_127 = arith.addi %mul3A_2, %mul3A_126 : i32
        %dma_wait3A_128 = tpu.memref_slice %arg3[%add3A_127] : memref<200704xi32, #tpu.memory_space<hbm>> -> memref<56xi32, #tpu.memory_space<hbm>>
        %dma_wait3A_129 = tpu.memref_slice %arg3[%add3A_127] : memref<200704xi32, #tpu.memory_space<hbm>> -> memref<56xi32, #tpu.memory_space<hbm>>
        tpu.wait_dma2 semaphore(%arg15 : memref<!tpu.dma_semaphore, #tpu.memory_space<semaphore_mem>>) src(%dma_wait3A_129 : memref<56xi32, #tpu.memory_space<hbm>>) dst(%arg7 : memref<56xi32, #tpu.memory_space<vmem>>)
        %add3A_130 = arith.constant 1 : i32
        %add3A_131 = arith.addi %add3A_42, %add3A_130 : i32
        %dma_start3A_132 = arith.constant 0 : i32
        %dma_start3A_133 = arith.constant 0 : i32
        %dma_start3A_134 = tpu.memref_slice %arg2[%dma_start3A_132, %dma_start3A_133] : memref<589824x768xf32, #tpu.memory_space<hbm>> -> memref<589824x768xf32, #tpu.memory_space<hbm>>
        tpu.enqueue_indirect_dma source(%dma_start3A_134 : memref<589824x768xf32, #tpu.memory_space<hbm>>) target(%arg11 : memref<56x768xf32, #tpu.memory_space<vmem>>) offsets(%arg7 : memref<56xi32, #tpu.memory_space<vmem>>) semaphore(%arg17 : memref<!tpu.dma_semaphore, #tpu.memory_space<semaphore_mem>>)
        %mul3A_135 = arith.constant 56 : i32
        %mul3A_136 = arith.muli %add3A_131, %mul3A_135 : i32
        %add3A_137 = arith.addi %mul3A_2, %mul3A_136 : i32
        %dma_start3A_138 = arith.constant 0 : i32
        %dma_start3A_139 = tpu.memref_slice %arg4[%add3A_137, %dma_start3A_138] : memref<200704x64xf32, #tpu.memory_space<hbm>> -> memref<56x64xf32, #tpu.memory_space<hbm>>
        %dma_start3A_140 = arith.constant 0 : i32
        %dma_start3A_141 = tpu.memref_slice %arg4[%add3A_137, %dma_start3A_140] : memref<200704x64xf32, #tpu.memory_space<hbm>> -> memref<56x64xf32, #tpu.memory_space<hbm>>
        tpu.enqueue_dma source(%dma_start3A_141 : memref<56x64xf32, #tpu.memory_space<hbm>>) target(%arg9 : memref<56x64xf32, #tpu.memory_space<vmem>>) target_semaphore(%arg17 : memref<!tpu.dma_semaphore, #tpu.memory_space<semaphore_mem>>)
      } else {
      }
      %dma_wait3A_47 = arith.constant 0 : i32
      %dma_wait3A_48 = arith.constant 0 : i32
      %dma_wait3A_49 = tpu.memref_slice %arg2[%dma_wait3A_47, %dma_wait3A_48] : memref<589824x768xf32, #tpu.memory_space<hbm>> -> memref<589824x768xf32, #tpu.memory_space<hbm>>
      tpu.wait_indirect_dma semaphore(%arg16 : memref<!tpu.dma_semaphore, #tpu.memory_space<semaphore_mem>>) src(%dma_wait3A_49 : memref<589824x768xf32, #tpu.memory_space<hbm>>) dst(%arg10 : memref<56x768xf32, #tpu.memory_space<vmem>>)
      %mul3A_50 = arith.constant 56 : i32
      %mul3A_51 = arith.muli %add3A_42, %mul3A_50 : i32
      %add3A_52 = arith.addi %mul3A_2, %mul3A_51 : i32
      %dma_wait3A_53 = arith.constant 0 : i32
      %dma_wait3A_54 = tpu.memref_slice %arg4[%add3A_52, %dma_wait3A_53] : memref<200704x64xf32, #tpu.memory_space<hbm>> -> memref<56x64xf32, #tpu.memory_space<hbm>>
      %dma_wait3A_55 = arith.constant 0 : i32
      %dma_wait3A_56 = tpu.memref_slice %arg4[%add3A_52, %dma_wait3A_55] : memref<200704x64xf32, #tpu.memory_space<hbm>> -> memref<56x64xf32, #tpu.memory_space<hbm>>
      tpu.wait_dma2 semaphore(%arg16 : memref<!tpu.dma_semaphore, #tpu.memory_space<semaphore_mem>>) src(%dma_wait3A_56 : memref<56x64xf32, #tpu.memory_space<hbm>>) dst(%arg8 : memref<56x64xf32, #tpu.memory_space<vmem>>)
      %add3A_57 = arith.constant 2 : i32
      %add3A_58 = arith.addi %add3A_42, %add3A_57 : i32
      %lt3A_59 = arith.constant 112 : i32
      %lt3A_60 = arith.cmpi slt, %add3A_58, %lt3A_59 : i32
      %convert_element_type3A_61 = arith.extui %lt3A_60 : i1 to i32
      %cond3A_62 = arith.constant 0 : i32
      %cond3A_63 = arith.cmpi ne, %convert_element_type3A_61, %cond3A_62 : i32
      scf.if %cond3A_63 {
        %add3A_123 = arith.constant 2 : i32
        %add3A_124 = arith.addi %add3A_42, %add3A_123 : i32
        %mul3A_125 = arith.constant 56 : i32
        %mul3A_126 = arith.muli %add3A_124, %mul3A_125 : i32
        %add3A_127 = arith.addi %mul3A_2, %mul3A_126 : i32
        %dma_start3A_128 = tpu.memref_slice %arg3[%add3A_127] : memref<200704xi32, #tpu.memory_space<hbm>> -> memref<56xi32, #tpu.memory_space<hbm>>
        %dma_start3A_129 = tpu.memref_slice %arg3[%add3A_127] : memref<200704xi32, #tpu.memory_space<hbm>> -> memref<56xi32, #tpu.memory_space<hbm>>
        tpu.enqueue_dma source(%dma_start3A_129 : memref<56xi32, #tpu.memory_space<hbm>>) target(%arg6 : memref<56xi32, #tpu.memory_space<vmem>>) target_semaphore(%arg14 : memref<!tpu.dma_semaphore, #tpu.memory_space<semaphore_mem>>)
      } else {
      }
      %ge3A = arith.constant 2 : i32
      %ge3A_64 = arith.cmpi sge, %add3A_42, %ge3A : i32
      %convert_element_type3A_65 = arith.extui %ge3A_64 : i1 to i32
      %cond3A_66 = arith.constant 0 : i32
      %cond3A_67 = arith.cmpi ne, %convert_element_type3A_65, %cond3A_66 : i32
      scf.if %cond3A_67 {
        %sub3A = arith.constant 2 : i32
        %sub3A_123 = arith.subi %add3A_42, %sub3A : i32
        %mul3A_124 = arith.constant 56 : i32
        %mul3A_125 = arith.muli %sub3A_123, %mul3A_124 : i32
        %add3A_126 = arith.addi %mul3A_2, %mul3A_125 : i32
        %dma_wait3A_127 = arith.constant 0 : i32
        %dma_wait3A_128 = tpu.memref_slice %arg5[%add3A_126, %dma_wait3A_127] : memref<200704x192xf32, #tpu.memory_space<hbm>> -> memref<56x192xf32, #tpu.memory_space<hbm>>
        %dma_wait3A_129 = arith.constant 0 : i32
        %dma_wait3A_130 = tpu.memref_slice %arg5[%add3A_126, %dma_wait3A_129] : memref<200704x192xf32, #tpu.memory_space<hbm>> -> memref<56x192xf32, #tpu.memory_space<hbm>>
        tpu.wait_dma2 semaphore(%arg18 : memref<!tpu.dma_semaphore, #tpu.memory_space<semaphore_mem>>) src(%arg12 : memref<56x192xf32, #tpu.memory_space<vmem>>) dst(%dma_wait3A_130 : memref<56x192xf32, #tpu.memory_space<hbm>>)
      } else {
      }
      %scan3A_68 = arith.constant 0 : i32
      %scan3A_69 = arith.constant 56 : i32
      %scan3A_70 = arith.addi %scan3A_68, %scan3A_69 : i32
      %scan3A_71 = arith.constant 1 : i32
      scf.for %scan3A_123 = %scan3A_68 to %scan3A_70 step %scan3A_71  : i32 {
        %mul3A_124 = arith.constant 1 : i32
        %mul3A_125 = arith.muli %scan3A_123, %mul3A_124 : i32
        %add3A_126 = arith.constant 0 : i32
        %add3A_127 = arith.addi %add3A_126, %mul3A_125 : i32
        %get3A = arith.index_cast %add3A_127 : i32 to index
        %get3A_128 = arith.constant 0 : index
        %get3A_129 = tpu.vector_load %arg8[%get3A, %get3A_128] {strides = array<i32>} : memref<56x64xf32, #tpu.memory_space<vmem>>, vector<1x16xf32>,
        %get3A_130 = vector.shape_cast %get3A_129 : vector<1x16xf32> to vector<16xf32>
        %get3A_131 = arith.index_cast %add3A_127 : i32 to index
        %get3A_132 = arith.constant 16 : index
        %get3A_133 = tpu.vector_load %arg8[%get3A_131, %get3A_132] {strides = array<i32>} : memref<56x64xf32, #tpu.memory_space<vmem>>, vector<1x16xf32>,
        %get3A_134 = vector.shape_cast %get3A_133 : vector<1x16xf32> to vector<16xf32>
        %get3A_135 = arith.index_cast %add3A_127 : i32 to index
        %get3A_136 = arith.constant 32 : index
        %get3A_137 = tpu.vector_load %arg8[%get3A_135, %get3A_136] {strides = array<i32>} : memref<56x64xf32, #tpu.memory_space<vmem>>, vector<1x16xf32>,
        %get3A_138 = vector.shape_cast %get3A_137 : vector<1x16xf32> to vector<16xf32>
        %get3A_139 = arith.index_cast %add3A_127 : i32 to index
        %get3A_140 = arith.constant 48 : index
        %get3A_141 = tpu.vector_load %arg8[%get3A_139, %get3A_140] {strides = array<i32>} : memref<56x64xf32, #tpu.memory_space<vmem>>, vector<1x16xf32>,
        %get3A_142 = vector.shape_cast %get3A_141 : vector<1x16xf32> to vector<16xf32>
        %get3A_143 = arith.index_cast %add3A_127 : i32 to index
        %get3A_144 = arith.constant 0 : index
        %get3A_145 = tpu.vector_load %arg10[%get3A_143, %get3A_144] {strides = array<i32>} : memref<56x768xf32, #tpu.memory_space<vmem>>, vector<1x16xf32>,
        %get3A_146 = vector.shape_cast %get3A_145 : vector<1x16xf32> to vector<16xf32>
        %mul3A_147 = arith.mulf %get3A_146, %get3A_130 : vector<16xf32>
        %get3A_148 = arith.index_cast %add3A_127 : i32 to index
        %get3A_149 = arith.constant 192 : index
        %get3A_150 = tpu.vector_load %arg10[%get3A_148, %get3A_149] {strides = array<i32>} : memref<56x768xf32, #tpu.memory_space<vmem>>, vector<1x16xf32>,
        %get3A_151 = vector.shape_cast %get3A_150 : vector<1x16xf32> to vector<16xf32>
        %mul3A_152 = arith.mulf %get3A_151, %get3A_134 : vector<16xf32>
        %add3A_153 = arith.addf %mul3A_147, %mul3A_152 : vector<16xf32>
        %get3A_154 = arith.index_cast %add3A_127 : i32 to index
        %get3A_155 = arith.constant 384 : index
        %get3A_156 = tpu.vector_load %arg10[%get3A_154, %get3A_155] {strides = array<i32>} : memref<56x768xf32, #tpu.memory_space<vmem>>, vector<1x16xf32>,
        %get3A_157 = vector.shape_cast %get3A_156 : vector<1x16xf32> to vector<16xf32>
        %mul3A_158 = arith.mulf %get3A_157, %get3A_138 : vector<16xf32>
        %add3A_159 = arith.addf %add3A_153, %mul3A_158 : vector<16xf32>
        %get3A_160 = arith.index_cast %add3A_127 : i32 to index
        %get3A_161 = arith.constant 576 : index
        %get3A_162 = tpu.vector_load %arg10[%get3A_160, %get3A_161] {strides = array<i32>} : memref<56x768xf32, #tpu.memory_space<vmem>>, vector<1x16xf32>,
        %get3A_163 = vector.shape_cast %get3A_162 : vector<1x16xf32> to vector<16xf32>
        %mul3A_164 = arith.mulf %get3A_163, %get3A_142 : vector<16xf32>
        %add3A_165 = arith.addf %add3A_159, %mul3A_164 : vector<16xf32>
        %swap3A = arith.index_cast %add3A_127 : i32 to index
        %swap3A_166 = arith.constant 0 : index
        %swap3A_167 = tpu.vector_load %arg12[%swap3A, %swap3A_166] {strides = array<i32>} : memref<56x192xf32, #tpu.memory_space<vmem>>, vector<1x16xf32>,
        %swap3A_168 = vector.shape_cast %swap3A_167 : vector<1x16xf32> to vector<16xf32>
        %swap3A_169 = vector.shape_cast %add3A_165 : vector<16xf32> to vector<1x16xf32>
        tpu.vector_store %arg12[%swap3A, %swap3A_166], %swap3A_169 {strides = array<i32>} : memref<56x192xf32, #tpu.memory_space<vmem>>, vector<1x16xf32>,
        %get3A_170 = arith.index_cast %add3A_127 : i32 to index
        %get3A_171 = arith.constant 16 : index
        %get3A_172 = tpu.vector_load %arg10[%get3A_170, %get3A_171] {strides = array<i32>} : memref<56x768xf32, #tpu.memory_space<vmem>>, vector<1x16xf32>,
        %get3A_173 = vector.shape_cast %get3A_172 : vector<1x16xf32> to vector<16xf32>
        %mul3A_174 = arith.mulf %get3A_173, %get3A_130 : vector<16xf32>
        %get3A_175 = arith.index_cast %add3A_127 : i32 to index
        %get3A_176 = arith.constant 208 : index
        %get3A_177 = tpu.vector_load %arg10[%get3A_175, %get3A_176] {strides = array<i32>} : memref<56x768xf32, #tpu.memory_space<vmem>>, vector<1x16xf32>,
        %get3A_178 = vector.shape_cast %get3A_177 : vector<1x16xf32> to vector<16xf32>
        %mul3A_179 = arith.mulf %get3A_178, %get3A_134 : vector<16xf32>
        %add3A_180 = arith.addf %mul3A_174, %mul3A_179 : vector<16xf32>
        %get3A_181 = arith.index_cast %add3A_127 : i32 to index
        %get3A_182 = arith.constant 400 : index
        %get3A_183 = tpu.vector_load %arg10[%get3A_181, %get3A_182] {strides = array<i32>} : memref<56x768xf32, #tpu.memory_space<vmem>>, vector<1x16xf32>,
        %get3A_184 = vector.shape_cast %get3A_183 : vector<1x16xf32> to vector<16xf32>
        %mul3A_185 = arith.mulf %get3A_184, %get3A_138 : vector<16xf32>
        %add3A_186 = arith.addf %add3A_180, %mul3A_185 : vector<16xf32>
        %get3A_187 = arith.index_cast %add3A_127 : i32 to index
        %get3A_188 = arith.constant 592 : index
        %get3A_189 = tpu.vector_load %arg10[%get3A_187, %get3A_188] {strides = array<i32>} : memref<56x768xf32, #tpu.memory_space<vmem>>, vector<1x16xf32>,
        %get3A_190 = vector.shape_cast %get3A_189 : vector<1x16xf32> to vector<16xf32>
        %mul3A_191 = arith.mulf %get3A_190, %get3A_142 : vector<16xf32>
        %add3A_192 = arith.addf %add3A_186, %mul3A_191 : vector<16xf32>
        %swap3A_193 = arith.index_cast %add3A_127 : i32 to index
        %swap3A_194 = arith.constant 16 : index
        %swap3A_195 = tpu.vector_load %arg12[%swap3A_193, %swap3A_194] {strides = array<i32>} : memref<56x192xf32, #tpu.memory_space<vmem>>, vector<1x16xf32>,
        %swap3A_196 = vector.shape_cast %swap3A_195 : vector<1x16xf32> to vector<16xf32>
        %swap3A_197 = vector.shape_cast %add3A_192 : vector<16xf32> to vector<1x16xf32>
        tpu.vector_store %arg12[%swap3A_193, %swap3A_194], %swap3A_197 {strides = array<i32>} : memref<56x192xf32, #tpu.memory_space<vmem>>, vector<1x16xf32>,
        %get3A_198 = arith.index_cast %add3A_127 : i32 to index
        %get3A_199 = arith.constant 32 : index
        %get3A_200 = tpu.vector_load %arg10[%get3A_198, %get3A_199] {strides = array<i32>} : memref<56x768xf32, #tpu.memory_space<vmem>>, vector<1x16xf32>,
        %get3A_201 = vector.shape_cast %get3A_200 : vector<1x16xf32> to vector<16xf32>
        %mul3A_202 = arith.mulf %get3A_201, %get3A_130 : vector<16xf32>
        %get3A_203 = arith.index_cast %add3A_127 : i32 to index
        %get3A_204 = arith.constant 224 : index
        %get3A_205 = tpu.vector_load %arg10[%get3A_203, %get3A_204] {strides = array<i32>} : memref<56x768xf32, #tpu.memory_space<vmem>>, vector<1x16xf32>,
        %get3A_206 = vector.shape_cast %get3A_205 : vector<1x16xf32> to vector<16xf32>
        %mul3A_207 = arith.mulf %get3A_206, %get3A_134 : vector<16xf32>
        %add3A_208 = arith.addf %mul3A_202, %mul3A_207 : vector<16xf32>
        %get3A_209 = arith.index_cast %add3A_127 : i32 to index
        %get3A_210 = arith.constant 416 : index
        %get3A_211 = tpu.vector_load %arg10[%get3A_209, %get3A_210] {strides = array<i32>} : memref<56x768xf32, #tpu.memory_space<vmem>>, vector<1x16xf32>,
        %get3A_212 = vector.shape_cast %get3A_211 : vector<1x16xf32> to vector<16xf32>
        %mul3A_213 = arith.mulf %get3A_212, %get3A_138 : vector<16xf32>
        %add3A_214 = arith.addf %add3A_208, %mul3A_213 : vector<16xf32>
        %get3A_215 = arith.index_cast %add3A_127 : i32 to index
        %get3A_216 = arith.constant 608 : index
        %get3A_217 = tpu.vector_load %arg10[%get3A_215, %get3A_216] {strides = array<i32>} : memref<56x768xf32, #tpu.memory_space<vmem>>, vector<1x16xf32>,
        %get3A_218 = vector.shape_cast %get3A_217 : vector<1x16xf32> to vector<16xf32>
        %mul3A_219 = arith.mulf %get3A_218, %get3A_142 : vector<16xf32>
        %add3A_220 = arith.addf %add3A_214, %mul3A_219 : vector<16xf32>
        %swap3A_221 = arith.index_cast %add3A_127 : i32 to index
        %swap3A_222 = arith.constant 32 : index
        %swap3A_223 = tpu.vector_load %arg12[%swap3A_221, %swap3A_222] {strides = array<i32>} : memref<56x192xf32, #tpu.memory_space<vmem>>, vector<1x16xf32>,
        %swap3A_224 = vector.shape_cast %swap3A_223 : vector<1x16xf32> to vector<16xf32>
        %swap3A_225 = vector.shape_cast %add3A_220 : vector<16xf32> to vector<1x16xf32>
        tpu.vector_store %arg12[%swap3A_221, %swap3A_222], %swap3A_225 {strides = array<i32>} : memref<56x192xf32, #tpu.memory_space<vmem>>, vector<1x16xf32>,
        %get3A_226 = arith.index_cast %add3A_127 : i32 to index
        %get3A_227 = arith.constant 48 : index
        %get3A_228 = tpu.vector_load %arg10[%get3A_226, %get3A_227] {strides = array<i32>} : memref<56x768xf32, #tpu.memory_space<vmem>>, vector<1x16xf32>,
        %get3A_229 = vector.shape_cast %get3A_228 : vector<1x16xf32> to vector<16xf32>
        %mul3A_230 = arith.mulf %get3A_229, %get3A_130 : vector<16xf32>
        %get3A_231 = arith.index_cast %add3A_127 : i32 to index
        %get3A_232 = arith.constant 240 : index
        %get3A_233 = tpu.vector_load %arg10[%get3A_231, %get3A_232] {strides = array<i32>} : memref<56x768xf32, #tpu.memory_space<vmem>>, vector<1x16xf32>,
        %get3A_234 = vector.shape_cast %get3A_233 : vector<1x16xf32> to vector<16xf32>
        %mul3A_235 = arith.mulf %get3A_234, %get3A_134 : vector<16xf32>
        %add3A_236 = arith.addf %mul3A_230, %mul3A_235 : vector<16xf32>
        %get3A_237 = arith.index_cast %add3A_127 : i32 to index
        %get3A_238 = arith.constant 432 : index
        %get3A_239 = tpu.vector_load %arg10[%get3A_237, %get3A_238] {strides = array<i32>} : memref<56x768xf32, #tpu.memory_space<vmem>>, vector<1x16xf32>,
        %get3A_240 = vector.shape_cast %get3A_239 : vector<1x16xf32> to vector<16xf32>
        %mul3A_241 = arith.mulf %get3A_240, %get3A_138 : vector<16xf32>
        %add3A_242 = arith.addf %add3A_236, %mul3A_241 : vector<16xf32>
        %get3A_243 = arith.index_cast %add3A_127 : i32 to index
        %get3A_244 = arith.constant 624 : index
        %get3A_245 = tpu.vector_load %arg10[%get3A_243, %get3A_244] {strides = array<i32>} : memref<56x768xf32, #tpu.memory_space<vmem>>, vector<1x16xf32>,
        %get3A_246 = vector.shape_cast %get3A_245 : vector<1x16xf32> to vector<16xf32>
        %mul3A_247 = arith.mulf %get3A_246, %get3A_142 : vector<16xf32>
        %add3A_248 = arith.addf %add3A_242, %mul3A_247 : vector<16xf32>
        %swap3A_249 = arith.index_cast %add3A_127 : i32 to index
        %swap3A_250 = arith.constant 48 : index
        %swap3A_251 = tpu.vector_load %arg12[%swap3A_249, %swap3A_250] {strides = array<i32>} : memref<56x192xf32, #tpu.memory_space<vmem>>, vector<1x16xf32>,
        %swap3A_252 = vector.shape_cast %swap3A_251 : vector<1x16xf32> to vector<16xf32>
        %swap3A_253 = vector.shape_cast %add3A_248 : vector<16xf32> to vector<1x16xf32>
        tpu.vector_store %arg12[%swap3A_249, %swap3A_250], %swap3A_253 {strides = array<i32>} : memref<56x192xf32, #tpu.memory_space<vmem>>, vector<1x16xf32>,
        %get3A_254 = arith.index_cast %add3A_127 : i32 to index
        %get3A_255 = arith.constant 64 : index
        %get3A_256 = tpu.vector_load %arg10[%get3A_254, %get3A_255] {strides = array<i32>} : memref<56x768xf32, #tpu.memory_space<vmem>>, vector<1x16xf32>,
        %get3A_257 = vector.shape_cast %get3A_256 : vector<1x16xf32> to vector<16xf32>
        %mul3A_258 = arith.mulf %get3A_257, %get3A_130 : vector<16xf32>
        %get3A_259 = arith.index_cast %add3A_127 : i32 to index
        %get3A_260 = arith.constant 256 : index
        %get3A_261 = tpu.vector_load %arg10[%get3A_259, %get3A_260] {strides = array<i32>} : memref<56x768xf32, #tpu.memory_space<vmem>>, vector<1x16xf32>,
        %get3A_262 = vector.shape_cast %get3A_261 : vector<1x16xf32> to vector<16xf32>
        %mul3A_263 = arith.mulf %get3A_262, %get3A_134 : vector<16xf32>
        %add3A_264 = arith.addf %mul3A_258, %mul3A_263 : vector<16xf32>
        %get3A_265 = arith.index_cast %add3A_127 : i32 to index
        %get3A_266 = arith.constant 448 : index
        %get3A_267 = tpu.vector_load %arg10[%get3A_265, %get3A_266] {strides = array<i32>} : memref<56x768xf32, #tpu.memory_space<vmem>>, vector<1x16xf32>,
        %get3A_268 = vector.shape_cast %get3A_267 : vector<1x16xf32> to vector<16xf32>
        %mul3A_269 = arith.mulf %get3A_268, %get3A_138 : vector<16xf32>
        %add3A_270 = arith.addf %add3A_264, %mul3A_269 : vector<16xf32>
        %get3A_271 = arith.index_cast %add3A_127 : i32 to index
        %get3A_272 = arith.constant 640 : index
        %get3A_273 = tpu.vector_load %arg10[%get3A_271, %get3A_272] {strides = array<i32>} : memref<56x768xf32, #tpu.memory_space<vmem>>, vector<1x16xf32>,
        %get3A_274 = vector.shape_cast %get3A_273 : vector<1x16xf32> to vector<16xf32>
        %mul3A_275 = arith.mulf %get3A_274, %get3A_142 : vector<16xf32>
        %add3A_276 = arith.addf %add3A_270, %mul3A_275 : vector<16xf32>
        %swap3A_277 = arith.index_cast %add3A_127 : i32 to index
        %swap3A_278 = arith.constant 64 : index
        %swap3A_279 = tpu.vector_load %arg12[%swap3A_277, %swap3A_278] {strides = array<i32>} : memref<56x192xf32, #tpu.memory_space<vmem>>, vector<1x16xf32>,
        %swap3A_280 = vector.shape_cast %swap3A_279 : vector<1x16xf32> to vector<16xf32>
        %swap3A_281 = vector.shape_cast %add3A_276 : vector<16xf32> to vector<1x16xf32>
        tpu.vector_store %arg12[%swap3A_277, %swap3A_278], %swap3A_281 {strides = array<i32>} : memref<56x192xf32, #tpu.memory_space<vmem>>, vector<1x16xf32>,
        %get3A_282 = arith.index_cast %add3A_127 : i32 to index
        %get3A_283 = arith.constant 80 : index
        %get3A_284 = tpu.vector_load %arg10[%get3A_282, %get3A_283] {strides = array<i32>} : memref<56x768xf32, #tpu.memory_space<vmem>>, vector<1x16xf32>,
        %get3A_285 = vector.shape_cast %get3A_284 : vector<1x16xf32> to vector<16xf32>
        %mul3A_286 = arith.mulf %get3A_285, %get3A_130 : vector<16xf32>
        %get3A_287 = arith.index_cast %add3A_127 : i32 to index
        %get3A_288 = arith.constant 272 : index
        %get3A_289 = tpu.vector_load %arg10[%get3A_287, %get3A_288] {strides = array<i32>} : memref<56x768xf32, #tpu.memory_space<vmem>>, vector<1x16xf32>,
        %get3A_290 = vector.shape_cast %get3A_289 : vector<1x16xf32> to vector<16xf32>
        %mul3A_291 = arith.mulf %get3A_290, %get3A_134 : vector<16xf32>
        %add3A_292 = arith.addf %mul3A_286, %mul3A_291 : vector<16xf32>
        %get3A_293 = arith.index_cast %add3A_127 : i32 to index
        %get3A_294 = arith.constant 464 : index
        %get3A_295 = tpu.vector_load %arg10[%get3A_293, %get3A_294] {strides = array<i32>} : memref<56x768xf32, #tpu.memory_space<vmem>>, vector<1x16xf32>,
        %get3A_296 = vector.shape_cast %get3A_295 : vector<1x16xf32> to vector<16xf32>
        %mul3A_297 = arith.mulf %get3A_296, %get3A_138 : vector<16xf32>
        %add3A_298 = arith.addf %add3A_292, %mul3A_297 : vector<16xf32>
        %get3A_299 = arith.index_cast %add3A_127 : i32 to index
        %get3A_300 = arith.constant 656 : index
        %get3A_301 = tpu.vector_load %arg10[%get3A_299, %get3A_300] {strides = array<i32>} : memref<56x768xf32, #tpu.memory_space<vmem>>, vector<1x16xf32>,
        %get3A_302 = vector.shape_cast %get3A_301 : vector<1x16xf32> to vector<16xf32>
        %mul3A_303 = arith.mulf %get3A_302, %get3A_142 : vector<16xf32>
        %add3A_304 = arith.addf %add3A_298, %mul3A_303 : vector<16xf32>
        %swap3A_305 = arith.index_cast %add3A_127 : i32 to index
        %swap3A_306 = arith.constant 80 : index
        %swap3A_307 = tpu.vector_load %arg12[%swap3A_305, %swap3A_306] {strides = array<i32>} : memref<56x192xf32, #tpu.memory_space<vmem>>, vector<1x16xf32>,
        %swap3A_308 = vector.shape_cast %swap3A_307 : vector<1x16xf32> to vector<16xf32>
        %swap3A_309 = vector.shape_cast %add3A_304 : vector<16xf32> to vector<1x16xf32>
        tpu.vector_store %arg12[%swap3A_305, %swap3A_306], %swap3A_309 {strides = array<i32>} : memref<56x192xf32, #tpu.memory_space<vmem>>, vector<1x16xf32>,
        %get3A_310 = arith.index_cast %add3A_127 : i32 to index
        %get3A_311 = arith.constant 96 : index
        %get3A_312 = tpu.vector_load %arg10[%get3A_310, %get3A_311] {strides = array<i32>} : memref<56x768xf32, #tpu.memory_space<vmem>>, vector<1x16xf32>,
        %get3A_313 = vector.shape_cast %get3A_312 : vector<1x16xf32> to vector<16xf32>
        %mul3A_314 = arith.mulf %get3A_313, %get3A_130 : vector<16xf32>
        %get3A_315 = arith.index_cast %add3A_127 : i32 to index
        %get3A_316 = arith.constant 288 : index
        %get3A_317 = tpu.vector_load %arg10[%get3A_315, %get3A_316] {strides = array<i32>} : memref<56x768xf32, #tpu.memory_space<vmem>>, vector<1x16xf32>,
        %get3A_318 = vector.shape_cast %get3A_317 : vector<1x16xf32> to vector<16xf32>
        %mul3A_319 = arith.mulf %get3A_318, %get3A_134 : vector<16xf32>
        %add3A_320 = arith.addf %mul3A_314, %mul3A_319 : vector<16xf32>
        %get3A_321 = arith.index_cast %add3A_127 : i32 to index
        %get3A_322 = arith.constant 480 : index
        %get3A_323 = tpu.vector_load %arg10[%get3A_321, %get3A_322] {strides = array<i32>} : memref<56x768xf32, #tpu.memory_space<vmem>>, vector<1x16xf32>,
        %get3A_324 = vector.shape_cast %get3A_323 : vector<1x16xf32> to vector<16xf32>
        %mul3A_325 = arith.mulf %get3A_324, %get3A_138 : vector<16xf32>
        %add3A_326 = arith.addf %add3A_320, %mul3A_325 : vector<16xf32>
        %get3A_327 = arith.index_cast %add3A_127 : i32 to index
        %get3A_328 = arith.constant 672 : index
        %get3A_329 = tpu.vector_load %arg10[%get3A_327, %get3A_328] {strides = array<i32>} : memref<56x768xf32, #tpu.memory_space<vmem>>, vector<1x16xf32>,
        %get3A_330 = vector.shape_cast %get3A_329 : vector<1x16xf32> to vector<16xf32>
        %mul3A_331 = arith.mulf %get3A_330, %get3A_142 : vector<16xf32>
        %add3A_332 = arith.addf %add3A_326, %mul3A_331 : vector<16xf32>
        %swap3A_333 = arith.index_cast %add3A_127 : i32 to index
        %swap3A_334 = arith.constant 96 : index
        %swap3A_335 = tpu.vector_load %arg12[%swap3A_333, %swap3A_334] {strides = array<i32>} : memref<56x192xf32, #tpu.memory_space<vmem>>, vector<1x16xf32>,
        %swap3A_336 = vector.shape_cast %swap3A_335 : vector<1x16xf32> to vector<16xf32>
        %swap3A_337 = vector.shape_cast %add3A_332 : vector<16xf32> to vector<1x16xf32>
        tpu.vector_store %arg12[%swap3A_333, %swap3A_334], %swap3A_337 {strides = array<i32>} : memref<56x192xf32, #tpu.memory_space<vmem>>, vector<1x16xf32>,
        %get3A_338 = arith.index_cast %add3A_127 : i32 to index
        %get3A_339 = arith.constant 112 : index
        %get3A_340 = tpu.vector_load %arg10[%get3A_338, %get3A_339] {strides = array<i32>} : memref<56x768xf32, #tpu.memory_space<vmem>>, vector<1x16xf32>,
        %get3A_341 = vector.shape_cast %get3A_340 : vector<1x16xf32> to vector<16xf32>
        %mul3A_342 = arith.mulf %get3A_341, %get3A_130 : vector<16xf32>
        %get3A_343 = arith.index_cast %add3A_127 : i32 to index
        %get3A_344 = arith.constant 304 : index
        %get3A_345 = tpu.vector_load %arg10[%get3A_343, %get3A_344] {strides = array<i32>} : memref<56x768xf32, #tpu.memory_space<vmem>>, vector<1x16xf32>,
        %get3A_346 = vector.shape_cast %get3A_345 : vector<1x16xf32> to vector<16xf32>
        %mul3A_347 = arith.mulf %get3A_346, %get3A_134 : vector<16xf32>
        %add3A_348 = arith.addf %mul3A_342, %mul3A_347 : vector<16xf32>
        %get3A_349 = arith.index_cast %add3A_127 : i32 to index
        %get3A_350 = arith.constant 496 : index
        %get3A_351 = tpu.vector_load %arg10[%get3A_349, %get3A_350] {strides = array<i32>} : memref<56x768xf32, #tpu.memory_space<vmem>>, vector<1x16xf32>,
        %get3A_352 = vector.shape_cast %get3A_351 : vector<1x16xf32> to vector<16xf32>
        %mul3A_353 = arith.mulf %get3A_352, %get3A_138 : vector<16xf32>
        %add3A_354 = arith.addf %add3A_348, %mul3A_353 : vector<16xf32>
        %get3A_355 = arith.index_cast %add3A_127 : i32 to index
        %get3A_356 = arith.constant 688 : index
        %get3A_357 = tpu.vector_load %arg10[%get3A_355, %get3A_356] {strides = array<i32>} : memref<56x768xf32, #tpu.memory_space<vmem>>, vector<1x16xf32>,
        %get3A_358 = vector.shape_cast %get3A_357 : vector<1x16xf32> to vector<16xf32>
        %mul3A_359 = arith.mulf %get3A_358, %get3A_142 : vector<16xf32>
        %add3A_360 = arith.addf %add3A_354, %mul3A_359 : vector<16xf32>
        %swap3A_361 = arith.index_cast %add3A_127 : i32 to index
        %swap3A_362 = arith.constant 112 : index
        %swap3A_363 = tpu.vector_load %arg12[%swap3A_361, %swap3A_362] {strides = array<i32>} : memref<56x192xf32, #tpu.memory_space<vmem>>, vector<1x16xf32>,
        %swap3A_364 = vector.shape_cast %swap3A_363 : vector<1x16xf32> to vector<16xf32>
        %swap3A_365 = vector.shape_cast %add3A_360 : vector<16xf32> to vector<1x16xf32>
        tpu.vector_store %arg12[%swap3A_361, %swap3A_362], %swap3A_365 {strides = array<i32>} : memref<56x192xf32, #tpu.memory_space<vmem>>, vector<1x16xf32>,
        %get3A_366 = arith.index_cast %add3A_127 : i32 to index
        %get3A_367 = arith.constant 128 : index
        %get3A_368 = tpu.vector_load %arg10[%get3A_366, %get3A_367] {strides = array<i32>} : memref<56x768xf32, #tpu.memory_space<vmem>>, vector<1x16xf32>,
        %get3A_369 = vector.shape_cast %get3A_368 : vector<1x16xf32> to vector<16xf32>
        %mul3A_370 = arith.mulf %get3A_369, %get3A_130 : vector<16xf32>
        %get3A_371 = arith.index_cast %add3A_127 : i32 to index
        %get3A_372 = arith.constant 320 : index
        %get3A_373 = tpu.vector_load %arg10[%get3A_371, %get3A_372] {strides = array<i32>} : memref<56x768xf32, #tpu.memory_space<vmem>>, vector<1x16xf32>,
        %get3A_374 = vector.shape_cast %get3A_373 : vector<1x16xf32> to vector<16xf32>
        %mul3A_375 = arith.mulf %get3A_374, %get3A_134 : vector<16xf32>
        %add3A_376 = arith.addf %mul3A_370, %mul3A_375 : vector<16xf32>
        %get3A_377 = arith.index_cast %add3A_127 : i32 to index
        %get3A_378 = arith.constant 512 : index
        %get3A_379 = tpu.vector_load %arg10[%get3A_377, %get3A_378] {strides = array<i32>} : memref<56x768xf32, #tpu.memory_space<vmem>>, vector<1x16xf32>,
        %get3A_380 = vector.shape_cast %get3A_379 : vector<1x16xf32> to vector<16xf32>
        %mul3A_381 = arith.mulf %get3A_380, %get3A_138 : vector<16xf32>
        %add3A_382 = arith.addf %add3A_376, %mul3A_381 : vector<16xf32>
        %get3A_383 = arith.index_cast %add3A_127 : i32 to index
        %get3A_384 = arith.constant 704 : index
        %get3A_385 = tpu.vector_load %arg10[%get3A_383, %get3A_384] {strides = array<i32>} : memref<56x768xf32, #tpu.memory_space<vmem>>, vector<1x16xf32>,
        %get3A_386 = vector.shape_cast %get3A_385 : vector<1x16xf32> to vector<16xf32>
        %mul3A_387 = arith.mulf %get3A_386, %get3A_142 : vector<16xf32>
        %add3A_388 = arith.addf %add3A_382, %mul3A_387 : vector<16xf32>
        %swap3A_389 = arith.index_cast %add3A_127 : i32 to index
        %swap3A_390 = arith.constant 128 : index
        %swap3A_391 = tpu.vector_load %arg12[%swap3A_389, %swap3A_390] {strides = array<i32>} : memref<56x192xf32, #tpu.memory_space<vmem>>, vector<1x16xf32>,
        %swap3A_392 = vector.shape_cast %swap3A_391 : vector<1x16xf32> to vector<16xf32>
        %swap3A_393 = vector.shape_cast %add3A_388 : vector<16xf32> to vector<1x16xf32>
        tpu.vector_store %arg12[%swap3A_389, %swap3A_390], %swap3A_393 {strides = array<i32>} : memref<56x192xf32, #tpu.memory_space<vmem>>, vector<1x16xf32>,
        %get3A_394 = arith.index_cast %add3A_127 : i32 to index
        %get3A_395 = arith.constant 144 : index
        %get3A_396 = tpu.vector_load %arg10[%get3A_394, %get3A_395] {strides = array<i32>} : memref<56x768xf32, #tpu.memory_space<vmem>>, vector<1x16xf32>,
        %get3A_397 = vector.shape_cast %get3A_396 : vector<1x16xf32> to vector<16xf32>
        %mul3A_398 = arith.mulf %get3A_397, %get3A_130 : vector<16xf32>
        %get3A_399 = arith.index_cast %add3A_127 : i32 to index
        %get3A_400 = arith.constant 336 : index
        %get3A_401 = tpu.vector_load %arg10[%get3A_399, %get3A_400] {strides = array<i32>} : memref<56x768xf32, #tpu.memory_space<vmem>>, vector<1x16xf32>,
        %get3A_402 = vector.shape_cast %get3A_401 : vector<1x16xf32> to vector<16xf32>
        %mul3A_403 = arith.mulf %get3A_402, %get3A_134 : vector<16xf32>
        %add3A_404 = arith.addf %mul3A_398, %mul3A_403 : vector<16xf32>
        %get3A_405 = arith.index_cast %add3A_127 : i32 to index
        %get3A_406 = arith.constant 528 : index
        %get3A_407 = tpu.vector_load %arg10[%get3A_405, %get3A_406] {strides = array<i32>} : memref<56x768xf32, #tpu.memory_space<vmem>>, vector<1x16xf32>,
        %get3A_408 = vector.shape_cast %get3A_407 : vector<1x16xf32> to vector<16xf32>
        %mul3A_409 = arith.mulf %get3A_408, %get3A_138 : vector<16xf32>
        %add3A_410 = arith.addf %add3A_404, %mul3A_409 : vector<16xf32>
        %get3A_411 = arith.index_cast %add3A_127 : i32 to index
        %get3A_412 = arith.constant 720 : index
        %get3A_413 = tpu.vector_load %arg10[%get3A_411, %get3A_412] {strides = array<i32>} : memref<56x768xf32, #tpu.memory_space<vmem>>, vector<1x16xf32>,
        %get3A_414 = vector.shape_cast %get3A_413 : vector<1x16xf32> to vector<16xf32>
        %mul3A_415 = arith.mulf %get3A_414, %get3A_142 : vector<16xf32>
        %add3A_416 = arith.addf %add3A_410, %mul3A_415 : vector<16xf32>
        %swap3A_417 = arith.index_cast %add3A_127 : i32 to index
        %swap3A_418 = arith.constant 144 : index
        %swap3A_419 = tpu.vector_load %arg12[%swap3A_417, %swap3A_418] {strides = array<i32>} : memref<56x192xf32, #tpu.memory_space<vmem>>, vector<1x16xf32>,
        %swap3A_420 = vector.shape_cast %swap3A_419 : vector<1x16xf32> to vector<16xf32>
        %swap3A_421 = vector.shape_cast %add3A_416 : vector<16xf32> to vector<1x16xf32>
        tpu.vector_store %arg12[%swap3A_417, %swap3A_418], %swap3A_421 {strides = array<i32>} : memref<56x192xf32, #tpu.memory_space<vmem>>, vector<1x16xf32>,
        %get3A_422 = arith.index_cast %add3A_127 : i32 to index
        %get3A_423 = arith.constant 160 : index
        %get3A_424 = tpu.vector_load %arg10[%get3A_422, %get3A_423] {strides = array<i32>} : memref<56x768xf32, #tpu.memory_space<vmem>>, vector<1x16xf32>,
        %get3A_425 = vector.shape_cast %get3A_424 : vector<1x16xf32> to vector<16xf32>
        %mul3A_426 = arith.mulf %get3A_425, %get3A_130 : vector<16xf32>
        %get3A_427 = arith.index_cast %add3A_127 : i32 to index
        %get3A_428 = arith.constant 352 : index
        %get3A_429 = tpu.vector_load %arg10[%get3A_427, %get3A_428] {strides = array<i32>} : memref<56x768xf32, #tpu.memory_space<vmem>>, vector<1x16xf32>,
        %get3A_430 = vector.shape_cast %get3A_429 : vector<1x16xf32> to vector<16xf32>
        %mul3A_431 = arith.mulf %get3A_430, %get3A_134 : vector<16xf32>
        %add3A_432 = arith.addf %mul3A_426, %mul3A_431 : vector<16xf32>
        %get3A_433 = arith.index_cast %add3A_127 : i32 to index
        %get3A_434 = arith.constant 544 : index
        %get3A_435 = tpu.vector_load %arg10[%get3A_433, %get3A_434] {strides = array<i32>} : memref<56x768xf32, #tpu.memory_space<vmem>>, vector<1x16xf32>,
        %get3A_436 = vector.shape_cast %get3A_435 : vector<1x16xf32> to vector<16xf32>
        %mul3A_437 = arith.mulf %get3A_436, %get3A_138 : vector<16xf32>
        %add3A_438 = arith.addf %add3A_432, %mul3A_437 : vector<16xf32>
        %get3A_439 = arith.index_cast %add3A_127 : i32 to index
        %get3A_440 = arith.constant 736 : index
        %get3A_441 = tpu.vector_load %arg10[%get3A_439, %get3A_440] {strides = array<i32>} : memref<56x768xf32, #tpu.memory_space<vmem>>, vector<1x16xf32>,
        %get3A_442 = vector.shape_cast %get3A_441 : vector<1x16xf32> to vector<16xf32>
        %mul3A_443 = arith.mulf %get3A_442, %get3A_142 : vector<16xf32>
        %add3A_444 = arith.addf %add3A_438, %mul3A_443 : vector<16xf32>
        %swap3A_445 = arith.index_cast %add3A_127 : i32 to index
        %swap3A_446 = arith.constant 160 : index
        %swap3A_447 = tpu.vector_load %arg12[%swap3A_445, %swap3A_446] {strides = array<i32>} : memref<56x192xf32, #tpu.memory_space<vmem>>, vector<1x16xf32>,
        %swap3A_448 = vector.shape_cast %swap3A_447 : vector<1x16xf32> to vector<16xf32>
        %swap3A_449 = vector.shape_cast %add3A_444 : vector<16xf32> to vector<1x16xf32>
        tpu.vector_store %arg12[%swap3A_445, %swap3A_446], %swap3A_449 {strides = array<i32>} : memref<56x192xf32, #tpu.memory_space<vmem>>, vector<1x16xf32>,
        %get3A_450 = arith.index_cast %add3A_127 : i32 to index
        %get3A_451 = arith.constant 176 : index
        %get3A_452 = tpu.vector_load %arg10[%get3A_450, %get3A_451] {strides = array<i32>} : memref<56x768xf32, #tpu.memory_space<vmem>>, vector<1x16xf32>,
        %get3A_453 = vector.shape_cast %get3A_452 : vector<1x16xf32> to vector<16xf32>
        %mul3A_454 = arith.mulf %get3A_453, %get3A_130 : vector<16xf32>
        %get3A_455 = arith.index_cast %add3A_127 : i32 to index
        %get3A_456 = arith.constant 368 : index
        %get3A_457 = tpu.vector_load %arg10[%get3A_455, %get3A_456] {strides = array<i32>} : memref<56x768xf32, #tpu.memory_space<vmem>>, vector<1x16xf32>,
        %get3A_458 = vector.shape_cast %get3A_457 : vector<1x16xf32> to vector<16xf32>
        %mul3A_459 = arith.mulf %get3A_458, %get3A_134 : vector<16xf32>
        %add3A_460 = arith.addf %mul3A_454, %mul3A_459 : vector<16xf32>
        %get3A_461 = arith.index_cast %add3A_127 : i32 to index
        %get3A_462 = arith.constant 560 : index
        %get3A_463 = tpu.vector_load %arg10[%get3A_461, %get3A_462] {strides = array<i32>} : memref<56x768xf32, #tpu.memory_space<vmem>>, vector<1x16xf32>,
        %get3A_464 = vector.shape_cast %get3A_463 : vector<1x16xf32> to vector<16xf32>
        %mul3A_465 = arith.mulf %get3A_464, %get3A_138 : vector<16xf32>
        %add3A_466 = arith.addf %add3A_460, %mul3A_465 : vector<16xf32>
        %get3A_467 = arith.index_cast %add3A_127 : i32 to index
        %get3A_468 = arith.constant 752 : index
        %get3A_469 = tpu.vector_load %arg10[%get3A_467, %get3A_468] {strides = array<i32>} : memref<56x768xf32, #tpu.memory_space<vmem>>, vector<1x16xf32>,
        %get3A_470 = vector.shape_cast %get3A_469 : vector<1x16xf32> to vector<16xf32>
        %mul3A_471 = arith.mulf %get3A_470, %get3A_142 : vector<16xf32>
        %add3A_472 = arith.addf %add3A_466, %mul3A_471 : vector<16xf32>
        %swap3A_473 = arith.index_cast %add3A_127 : i32 to index
        %swap3A_474 = arith.constant 176 : index
        %swap3A_475 = tpu.vector_load %arg12[%swap3A_473, %swap3A_474] {strides = array<i32>} : memref<56x192xf32, #tpu.memory_space<vmem>>, vector<1x16xf32>,
        %swap3A_476 = vector.shape_cast %swap3A_475 : vector<1x16xf32> to vector<16xf32>
        %swap3A_477 = vector.shape_cast %add3A_472 : vector<16xf32> to vector<1x16xf32>
        tpu.vector_store %arg12[%swap3A_473, %swap3A_474], %swap3A_477 {strides = array<i32>} : memref<56x192xf32, #tpu.memory_space<vmem>>, vector<1x16xf32>,
      }
      %scan3A_72 = arith.constant 56 : i32
      %mul3A_73 = arith.constant 56 : i32
      %mul3A_74 = arith.muli %add3A_42, %mul3A_73 : i32
      %add3A_75 = arith.addi %mul3A_2, %mul3A_74 : i32
      %dma_start3A_76 = arith.constant 0 : i32
      %dma_start3A_77 = tpu.memref_slice %arg5[%add3A_75, %dma_start3A_76] : memref<200704x192xf32, #tpu.memory_space<hbm>> -> memref<56x192xf32, #tpu.memory_space<hbm>>
      %dma_start3A_78 = arith.constant 0 : i32
      %dma_start3A_79 = tpu.memref_slice %arg5[%add3A_75, %dma_start3A_78] : memref<200704x192xf32, #tpu.memory_space<hbm>> -> memref<56x192xf32, #tpu.memory_space<hbm>>
      tpu.enqueue_dma source(%arg12 : memref<56x192xf32, #tpu.memory_space<vmem>>) target(%dma_start3A_79 : memref<56x192xf32, #tpu.memory_space<hbm>>) target_semaphore(%arg18 : memref<!tpu.dma_semaphore, #tpu.memory_space<semaphore_mem>>)
      %add3A_80 = arith.constant 1 : i32
      %add3A_81 = arith.addi %add3A_42, %add3A_80 : i32
      %add3A_82 = arith.constant 1 : i32
      %add3A_83 = arith.addi %add3A_81, %add3A_82 : i32
      %lt3A_84 = arith.constant 112 : i32
      %lt3A_85 = arith.cmpi slt, %add3A_83, %lt3A_84 : i32
      %convert_element_type3A_86 = arith.extui %lt3A_85 : i1 to i32
      %cond3A_87 = arith.constant 0 : i32
      %cond3A_88 = arith.cmpi ne, %convert_element_type3A_86, %cond3A_87 : i32
      scf.if %cond3A_88 {
        %add3A_123 = arith.constant 1 : i32
        %add3A_124 = arith.addi %add3A_81, %add3A_123 : i32
        %mul3A_125 = arith.constant 56 : i32
        %mul3A_126 = arith.muli %add3A_124, %mul3A_125 : i32
        %add3A_127 = arith.addi %mul3A_2, %mul3A_126 : i32
        %dma_wait3A_128 = tpu.memref_slice %arg3[%add3A_127] : memref<200704xi32, #tpu.memory_space<hbm>> -> memref<56xi32, #tpu.memory_space<hbm>>
        %dma_wait3A_129 = tpu.memref_slice %arg3[%add3A_127] : memref<200704xi32, #tpu.memory_space<hbm>> -> memref<56xi32, #tpu.memory_space<hbm>>
        tpu.wait_dma2 semaphore(%arg14 : memref<!tpu.dma_semaphore, #tpu.memory_space<semaphore_mem>>) src(%dma_wait3A_129 : memref<56xi32, #tpu.memory_space<hbm>>) dst(%arg6 : memref<56xi32, #tpu.memory_space<vmem>>)
        %add3A_130 = arith.constant 1 : i32
        %add3A_131 = arith.addi %add3A_81, %add3A_130 : i32
        %dma_start3A_132 = arith.constant 0 : i32
        %dma_start3A_133 = arith.constant 0 : i32
        %dma_start3A_134 = tpu.memref_slice %arg2[%dma_start3A_132, %dma_start3A_133] : memref<589824x768xf32, #tpu.memory_space<hbm>> -> memref<589824x768xf32, #tpu.memory_space<hbm>>
        tpu.enqueue_indirect_dma source(%dma_start3A_134 : memref<589824x768xf32, #tpu.memory_space<hbm>>) target(%arg10 : memref<56x768xf32, #tpu.memory_space<vmem>>) offsets(%arg6 : memref<56xi32, #tpu.memory_space<vmem>>) semaphore(%arg16 : memref<!tpu.dma_semaphore, #tpu.memory_space<semaphore_mem>>)
        %mul3A_135 = arith.constant 56 : i32
        %mul3A_136 = arith.muli %add3A_131, %mul3A_135 : i32
        %add3A_137 = arith.addi %mul3A_2, %mul3A_136 : i32
        %dma_start3A_138 = arith.constant 0 : i32
        %dma_start3A_139 = tpu.memref_slice %arg4[%add3A_137, %dma_start3A_138] : memref<200704x64xf32, #tpu.memory_space<hbm>> -> memref<56x64xf32, #tpu.memory_space<hbm>>
        %dma_start3A_140 = arith.constant 0 : i32
        %dma_start3A_141 = tpu.memref_slice %arg4[%add3A_137, %dma_start3A_140] : memref<200704x64xf32, #tpu.memory_space<hbm>> -> memref<56x64xf32, #tpu.memory_space<hbm>>
        tpu.enqueue_dma source(%dma_start3A_141 : memref<56x64xf32, #tpu.memory_space<hbm>>) target(%arg8 : memref<56x64xf32, #tpu.memory_space<vmem>>) target_semaphore(%arg16 : memref<!tpu.dma_semaphore, #tpu.memory_space<semaphore_mem>>)
      } else {
      }
      %dma_wait3A_89 = arith.constant 0 : i32
      %dma_wait3A_90 = arith.constant 0 : i32
      %dma_wait3A_91 = tpu.memref_slice %arg2[%dma_wait3A_89, %dma_wait3A_90] : memref<589824x768xf32, #tpu.memory_space<hbm>> -> memref<589824x768xf32, #tpu.memory_space<hbm>>
      tpu.wait_indirect_dma semaphore(%arg17 : memref<!tpu.dma_semaphore, #tpu.memory_space<semaphore_mem>>) src(%dma_wait3A_91 : memref<589824x768xf32, #tpu.memory_space<hbm>>) dst(%arg11 : memref<56x768xf32, #tpu.memory_space<vmem>>)
      %mul3A_92 = arith.constant 56 : i32
      %mul3A_93 = arith.muli %add3A_81, %mul3A_92 : i32
      %add3A_94 = arith.addi %mul3A_2, %mul3A_93 : i32
      %dma_wait3A_95 = arith.constant 0 : i32
      %dma_wait3A_96 = tpu.memref_slice %arg4[%add3A_94, %dma_wait3A_95] : memref<200704x64xf32, #tpu.memory_space<hbm>> -> memref<56x64xf32, #tpu.memory_space<hbm>>
      %dma_wait3A_97 = arith.constant 0 : i32
      %dma_wait3A_98 = tpu.memref_slice %arg4[%add3A_94, %dma_wait3A_97] : memref<200704x64xf32, #tpu.memory_space<hbm>> -> memref<56x64xf32, #tpu.memory_space<hbm>>
      tpu.wait_dma2 semaphore(%arg17 : memref<!tpu.dma_semaphore, #tpu.memory_space<semaphore_mem>>) src(%dma_wait3A_98 : memref<56x64xf32, #tpu.memory_space<hbm>>) dst(%arg9 : memref<56x64xf32, #tpu.memory_space<vmem>>)
      %add3A_99 = arith.constant 2 : i32
      %add3A_100 = arith.addi %add3A_81, %add3A_99 : i32
      %lt3A_101 = arith.constant 112 : i32
      %lt3A_102 = arith.cmpi slt, %add3A_100, %lt3A_101 : i32
      %convert_element_type3A_103 = arith.extui %lt3A_102 : i1 to i32
      %cond3A_104 = arith.constant 0 : i32
      %cond3A_105 = arith.cmpi ne, %convert_element_type3A_103, %cond3A_104 : i32
      scf.if %cond3A_105 {
        %add3A_123 = arith.constant 2 : i32
        %add3A_124 = arith.addi %add3A_81, %add3A_123 : i32
        %mul3A_125 = arith.constant 56 : i32
        %mul3A_126 = arith.muli %add3A_124, %mul3A_125 : i32
        %add3A_127 = arith.addi %mul3A_2, %mul3A_126 : i32
        %dma_start3A_128 = tpu.memref_slice %arg3[%add3A_127] : memref<200704xi32, #tpu.memory_space<hbm>> -> memref<56xi32, #tpu.memory_space<hbm>>
        %dma_start3A_129 = tpu.memref_slice %arg3[%add3A_127] : memref<200704xi32, #tpu.memory_space<hbm>> -> memref<56xi32, #tpu.memory_space<hbm>>
        tpu.enqueue_dma source(%dma_start3A_129 : memref<56xi32, #tpu.memory_space<hbm>>) target(%arg7 : memref<56xi32, #tpu.memory_space<vmem>>) target_semaphore(%arg15 : memref<!tpu.dma_semaphore, #tpu.memory_space<semaphore_mem>>)
      } else {
      }
      %ge3A_106 = arith.constant 2 : i32
      %ge3A_107 = arith.cmpi sge, %add3A_81, %ge3A_106 : i32
      %convert_element_type3A_108 = arith.extui %ge3A_107 : i1 to i32
      %cond3A_109 = arith.constant 0 : i32
      %cond3A_110 = arith.cmpi ne, %convert_element_type3A_108, %cond3A_109 : i32
      scf.if %cond3A_110 {
        %sub3A = arith.constant 2 : i32
        %sub3A_123 = arith.subi %add3A_81, %sub3A : i32
        %mul3A_124 = arith.constant 56 : i32
        %mul3A_125 = arith.muli %sub3A_123, %mul3A_124 : i32
        %add3A_126 = arith.addi %mul3A_2, %mul3A_125 : i32
        %dma_wait3A_127 = arith.constant 0 : i32
        %dma_wait3A_128 = tpu.memref_slice %arg5[%add3A_126, %dma_wait3A_127] : memref<200704x192xf32, #tpu.memory_space<hbm>> -> memref<56x192xf32, #tpu.memory_space<hbm>>
        %dma_wait3A_129 = arith.constant 0 : i32
        %dma_wait3A_130 = tpu.memref_slice %arg5[%add3A_126, %dma_wait3A_129] : memref<200704x192xf32, #tpu.memory_space<hbm>> -> memref<56x192xf32, #tpu.memory_space<hbm>>
        tpu.wait_dma2 semaphore(%arg19 : memref<!tpu.dma_semaphore, #tpu.memory_space<semaphore_mem>>) src(%arg13 : memref<56x192xf32, #tpu.memory_space<vmem>>) dst(%dma_wait3A_130 : memref<56x192xf32, #tpu.memory_space<hbm>>)
      } else {
      }
      %scan3A_111 = arith.constant 0 : i32
      %scan3A_112 = arith.constant 56 : i32
      %scan3A_113 = arith.addi %scan3A_111, %scan3A_112 : i32
      %scan3A_114 = arith.constant 1 : i32
      scf.for %scan3A_123 = %scan3A_111 to %scan3A_113 step %scan3A_114  : i32 {
        %mul3A_124 = arith.constant 1 : i32
        %mul3A_125 = arith.muli %scan3A_123, %mul3A_124 : i32
        %add3A_126 = arith.constant 0 : i32
        %add3A_127 = arith.addi %add3A_126, %mul3A_125 : i32
        %get3A = arith.index_cast %add3A_127 : i32 to index
        %get3A_128 = arith.constant 0 : index
        %get3A_129 = tpu.vector_load %arg9[%get3A, %get3A_128] {strides = array<i32>} : memref<56x64xf32, #tpu.memory_space<vmem>>, vector<1x16xf32>,
        %get3A_130 = vector.shape_cast %get3A_129 : vector<1x16xf32> to vector<16xf32>
        %get3A_131 = arith.index_cast %add3A_127 : i32 to index
        %get3A_132 = arith.constant 16 : index
        %get3A_133 = tpu.vector_load %arg9[%get3A_131, %get3A_132] {strides = array<i32>} : memref<56x64xf32, #tpu.memory_space<vmem>>, vector<1x16xf32>,
        %get3A_134 = vector.shape_cast %get3A_133 : vector<1x16xf32> to vector<16xf32>
        %get3A_135 = arith.index_cast %add3A_127 : i32 to index
        %get3A_136 = arith.constant 32 : index
        %get3A_137 = tpu.vector_load %arg9[%get3A_135, %get3A_136] {strides = array<i32>} : memref<56x64xf32, #tpu.memory_space<vmem>>, vector<1x16xf32>,
        %get3A_138 = vector.shape_cast %get3A_137 : vector<1x16xf32> to vector<16xf32>
        %get3A_139 = arith.index_cast %add3A_127 : i32 to index
        %get3A_140 = arith.constant 48 : index
        %get3A_141 = tpu.vector_load %arg9[%get3A_139, %get3A_140] {strides = array<i32>} : memref<56x64xf32, #tpu.memory_space<vmem>>, vector<1x16xf32>,
        %get3A_142 = vector.shape_cast %get3A_141 : vector<1x16xf32> to vector<16xf32>
        %get3A_143 = arith.index_cast %add3A_127 : i32 to index
        %get3A_144 = arith.constant 0 : index
        %get3A_145 = tpu.vector_load %arg11[%get3A_143, %get3A_144] {strides = array<i32>} : memref<56x768xf32, #tpu.memory_space<vmem>>, vector<1x16xf32>,
        %get3A_146 = vector.shape_cast %get3A_145 : vector<1x16xf32> to vector<16xf32>
        %mul3A_147 = arith.mulf %get3A_146, %get3A_130 : vector<16xf32>
        %get3A_148 = arith.index_cast %add3A_127 : i32 to index
        %get3A_149 = arith.constant 192 : index
        %get3A_150 = tpu.vector_load %arg11[%get3A_148, %get3A_149] {strides = array<i32>} : memref<56x768xf32, #tpu.memory_space<vmem>>, vector<1x16xf32>,
        %get3A_151 = vector.shape_cast %get3A_150 : vector<1x16xf32> to vector<16xf32>
        %mul3A_152 = arith.mulf %get3A_151, %get3A_134 : vector<16xf32>
        %add3A_153 = arith.addf %mul3A_147, %mul3A_152 : vector<16xf32>
        %get3A_154 = arith.index_cast %add3A_127 : i32 to index
        %get3A_155 = arith.constant 384 : index
        %get3A_156 = tpu.vector_load %arg11[%get3A_154, %get3A_155] {strides = array<i32>} : memref<56x768xf32, #tpu.memory_space<vmem>>, vector<1x16xf32>,
        %get3A_157 = vector.shape_cast %get3A_156 : vector<1x16xf32> to vector<16xf32>
        %mul3A_158 = arith.mulf %get3A_157, %get3A_138 : vector<16xf32>
        %add3A_159 = arith.addf %add3A_153, %mul3A_158 : vector<16xf32>
        %get3A_160 = arith.index_cast %add3A_127 : i32 to index
        %get3A_161 = arith.constant 576 : index
        %get3A_162 = tpu.vector_load %arg11[%get3A_160, %get3A_161] {strides = array<i32>} : memref<56x768xf32, #tpu.memory_space<vmem>>, vector<1x16xf32>,
        %get3A_163 = vector.shape_cast %get3A_162 : vector<1x16xf32> to vector<16xf32>
        %mul3A_164 = arith.mulf %get3A_163, %get3A_142 : vector<16xf32>
        %add3A_165 = arith.addf %add3A_159, %mul3A_164 : vector<16xf32>
        %swap3A = arith.index_cast %add3A_127 : i32 to index
        %swap3A_166 = arith.constant 0 : index
        %swap3A_167 = tpu.vector_load %arg13[%swap3A, %swap3A_166] {strides = array<i32>} : memref<56x192xf32, #tpu.memory_space<vmem>>, vector<1x16xf32>,
        %swap3A_168 = vector.shape_cast %swap3A_167 : vector<1x16xf32> to vector<16xf32>
        %swap3A_169 = vector.shape_cast %add3A_165 : vector<16xf32> to vector<1x16xf32>
        tpu.vector_store %arg13[%swap3A, %swap3A_166], %swap3A_169 {strides = array<i32>} : memref<56x192xf32, #tpu.memory_space<vmem>>, vector<1x16xf32>,
        %get3A_170 = arith.index_cast %add3A_127 : i32 to index
        %get3A_171 = arith.constant 16 : index
        %get3A_172 = tpu.vector_load %arg11[%get3A_170, %get3A_171] {strides = array<i32>} : memref<56x768xf32, #tpu.memory_space<vmem>>, vector<1x16xf32>,
        %get3A_173 = vector.shape_cast %get3A_172 : vector<1x16xf32> to vector<16xf32>
        %mul3A_174 = arith.mulf %get3A_173, %get3A_130 : vector<16xf32>
        %get3A_175 = arith.index_cast %add3A_127 : i32 to index
        %get3A_176 = arith.constant 208 : index
        %get3A_177 = tpu.vector_load %arg11[%get3A_175, %get3A_176] {strides = array<i32>} : memref<56x768xf32, #tpu.memory_space<vmem>>, vector<1x16xf32>,
        %get3A_178 = vector.shape_cast %get3A_177 : vector<1x16xf32> to vector<16xf32>
        %mul3A_179 = arith.mulf %get3A_178, %get3A_134 : vector<16xf32>
        %add3A_180 = arith.addf %mul3A_174, %mul3A_179 : vector<16xf32>
        %get3A_181 = arith.index_cast %add3A_127 : i32 to index
        %get3A_182 = arith.constant 400 : index
        %get3A_183 = tpu.vector_load %arg11[%get3A_181, %get3A_182] {strides = array<i32>} : memref<56x768xf32, #tpu.memory_space<vmem>>, vector<1x16xf32>,
        %get3A_184 = vector.shape_cast %get3A_183 : vector<1x16xf32> to vector<16xf32>
        %mul3A_185 = arith.mulf %get3A_184, %get3A_138 : vector<16xf32>
        %add3A_186 = arith.addf %add3A_180, %mul3A_185 : vector<16xf32>
        %get3A_187 = arith.index_cast %add3A_127 : i32 to index
        %get3A_188 = arith.constant 592 : index
        %get3A_189 = tpu.vector_load %arg11[%get3A_187, %get3A_188] {strides = array<i32>} : memref<56x768xf32, #tpu.memory_space<vmem>>, vector<1x16xf32>,
        %get3A_190 = vector.shape_cast %get3A_189 : vector<1x16xf32> to vector<16xf32>
        %mul3A_191 = arith.mulf %get3A_190, %get3A_142 : vector<16xf32>
        %add3A_192 = arith.addf %add3A_186, %mul3A_191 : vector<16xf32>
        %swap3A_193 = arith.index_cast %add3A_127 : i32 to index
        %swap3A_194 = arith.constant 16 : index
        %swap3A_195 = tpu.vector_load %arg13[%swap3A_193, %swap3A_194] {strides = array<i32>} : memref<56x192xf32, #tpu.memory_space<vmem>>, vector<1x16xf32>,
        %swap3A_196 = vector.shape_cast %swap3A_195 : vector<1x16xf32> to vector<16xf32>
        %swap3A_197 = vector.shape_cast %add3A_192 : vector<16xf32> to vector<1x16xf32>
        tpu.vector_store %arg13[%swap3A_193, %swap3A_194], %swap3A_197 {strides = array<i32>} : memref<56x192xf32, #tpu.memory_space<vmem>>, vector<1x16xf32>,
        %get3A_198 = arith.index_cast %add3A_127 : i32 to index
        %get3A_199 = arith.constant 32 : index
        %get3A_200 = tpu.vector_load %arg11[%get3A_198, %get3A_199] {strides = array<i32>} : memref<56x768xf32, #tpu.memory_space<vmem>>, vector<1x16xf32>,
        %get3A_201 = vector.shape_cast %get3A_200 : vector<1x16xf32> to vector<16xf32>
        %mul3A_202 = arith.mulf %get3A_201, %get3A_130 : vector<16xf32>
        %get3A_203 = arith.index_cast %add3A_127 : i32 to index
        %get3A_204 = arith.constant 224 : index
        %get3A_205 = tpu.vector_load %arg11[%get3A_203, %get3A_204] {strides = array<i32>} : memref<56x768xf32, #tpu.memory_space<vmem>>, vector<1x16xf32>,
        %get3A_206 = vector.shape_cast %get3A_205 : vector<1x16xf32> to vector<16xf32>
        %mul3A_207 = arith.mulf %get3A_206, %get3A_134 : vector<16xf32>
        %add3A_208 = arith.addf %mul3A_202, %mul3A_207 : vector<16xf32>
        %get3A_209 = arith.index_cast %add3A_127 : i32 to index
        %get3A_210 = arith.constant 416 : index
        %get3A_211 = tpu.vector_load %arg11[%get3A_209, %get3A_210] {strides = array<i32>} : memref<56x768xf32, #tpu.memory_space<vmem>>, vector<1x16xf32>,
        %get3A_212 = vector.shape_cast %get3A_211 : vector<1x16xf32> to vector<16xf32>
        %mul3A_213 = arith.mulf %get3A_212, %get3A_138 : vector<16xf32>
        %add3A_214 = arith.addf %add3A_208, %mul3A_213 : vector<16xf32>
        %get3A_215 = arith.index_cast %add3A_127 : i32 to index
        %get3A_216 = arith.constant 608 : index
        %get3A_217 = tpu.vector_load %arg11[%get3A_215, %get3A_216] {strides = array<i32>} : memref<56x768xf32, #tpu.memory_space<vmem>>, vector<1x16xf32>,
        %get3A_218 = vector.shape_cast %get3A_217 : vector<1x16xf32> to vector<16xf32>
        %mul3A_219 = arith.mulf %get3A_218, %get3A_142 : vector<16xf32>
        %add3A_220 = arith.addf %add3A_214, %mul3A_219 : vector<16xf32>
        %swap3A_221 = arith.index_cast %add3A_127 : i32 to index
        %swap3A_222 = arith.constant 32 : index
        %swap3A_223 = tpu.vector_load %arg13[%swap3A_221, %swap3A_222] {strides = array<i32>} : memref<56x192xf32, #tpu.memory_space<vmem>>, vector<1x16xf32>,
        %swap3A_224 = vector.shape_cast %swap3A_223 : vector<1x16xf32> to vector<16xf32>
        %swap3A_225 = vector.shape_cast %add3A_220 : vector<16xf32> to vector<1x16xf32>
        tpu.vector_store %arg13[%swap3A_221, %swap3A_222], %swap3A_225 {strides = array<i32>} : memref<56x192xf32, #tpu.memory_space<vmem>>, vector<1x16xf32>,
        %get3A_226 = arith.index_cast %add3A_127 : i32 to index
        %get3A_227 = arith.constant 48 : index
        %get3A_228 = tpu.vector_load %arg11[%get3A_226, %get3A_227] {strides = array<i32>} : memref<56x768xf32, #tpu.memory_space<vmem>>, vector<1x16xf32>,
        %get3A_229 = vector.shape_cast %get3A_228 : vector<1x16xf32> to vector<16xf32>
        %mul3A_230 = arith.mulf %get3A_229, %get3A_130 : vector<16xf32>
        %get3A_231 = arith.index_cast %add3A_127 : i32 to index
        %get3A_232 = arith.constant 240 : index
        %get3A_233 = tpu.vector_load %arg11[%get3A_231, %get3A_232] {strides = array<i32>} : memref<56x768xf32, #tpu.memory_space<vmem>>, vector<1x16xf32>,
        %get3A_234 = vector.shape_cast %get3A_233 : vector<1x16xf32> to vector<16xf32>
        %mul3A_235 = arith.mulf %get3A_234, %get3A_134 : vector<16xf32>
        %add3A_236 = arith.addf %mul3A_230, %mul3A_235 : vector<16xf32>
        %get3A_237 = arith.index_cast %add3A_127 : i32 to index
        %get3A_238 = arith.constant 432 : index
        %get3A_239 = tpu.vector_load %arg11[%get3A_237, %get3A_238] {strides = array<i32>} : memref<56x768xf32, #tpu.memory_space<vmem>>, vector<1x16xf32>,
        %get3A_240 = vector.shape_cast %get3A_239 : vector<1x16xf32> to vector<16xf32>
        %mul3A_241 = arith.mulf %get3A_240, %get3A_138 : vector<16xf32>
        %add3A_242 = arith.addf %add3A_236, %mul3A_241 : vector<16xf32>
        %get3A_243 = arith.index_cast %add3A_127 : i32 to index
        %get3A_244 = arith.constant 624 : index
        %get3A_245 = tpu.vector_load %arg11[%get3A_243, %get3A_244] {strides = array<i32>} : memref<56x768xf32, #tpu.memory_space<vmem>>, vector<1x16xf32>,
        %get3A_246 = vector.shape_cast %get3A_245 : vector<1x16xf32> to vector<16xf32>
        %mul3A_247 = arith.mulf %get3A_246, %get3A_142 : vector<16xf32>
        %add3A_248 = arith.addf %add3A_242, %mul3A_247 : vector<16xf32>
        %swap3A_249 = arith.index_cast %add3A_127 : i32 to index
        %swap3A_250 = arith.constant 48 : index
        %swap3A_251 = tpu.vector_load %arg13[%swap3A_249, %swap3A_250] {strides = array<i32>} : memref<56x192xf32, #tpu.memory_space<vmem>>, vector<1x16xf32>,
        %swap3A_252 = vector.shape_cast %swap3A_251 : vector<1x16xf32> to vector<16xf32>
        %swap3A_253 = vector.shape_cast %add3A_248 : vector<16xf32> to vector<1x16xf32>
        tpu.vector_store %arg13[%swap3A_249, %swap3A_250], %swap3A_253 {strides = array<i32>} : memref<56x192xf32, #tpu.memory_space<vmem>>, vector<1x16xf32>,
        %get3A_254 = arith.index_cast %add3A_127 : i32 to index
        %get3A_255 = arith.constant 64 : index
        %get3A_256 = tpu.vector_load %arg11[%get3A_254, %get3A_255] {strides = array<i32>} : memref<56x768xf32, #tpu.memory_space<vmem>>, vector<1x16xf32>,
        %get3A_257 = vector.shape_cast %get3A_256 : vector<1x16xf32> to vector<16xf32>
        %mul3A_258 = arith.mulf %get3A_257, %get3A_130 : vector<16xf32>
        %get3A_259 = arith.index_cast %add3A_127 : i32 to index
        %get3A_260 = arith.constant 256 : index
        %get3A_261 = tpu.vector_load %arg11[%get3A_259, %get3A_260] {strides = array<i32>} : memref<56x768xf32, #tpu.memory_space<vmem>>, vector<1x16xf32>,
        %get3A_262 = vector.shape_cast %get3A_261 : vector<1x16xf32> to vector<16xf32>
        %mul3A_263 = arith.mulf %get3A_262, %get3A_134 : vector<16xf32>
        %add3A_264 = arith.addf %mul3A_258, %mul3A_263 : vector<16xf32>
        %get3A_265 = arith.index_cast %add3A_127 : i32 to index
        %get3A_266 = arith.constant 448 : index
        %get3A_267 = tpu.vector_load %arg11[%get3A_265, %get3A_266] {strides = array<i32>} : memref<56x768xf32, #tpu.memory_space<vmem>>, vector<1x16xf32>,
        %get3A_268 = vector.shape_cast %get3A_267 : vector<1x16xf32> to vector<16xf32>
        %mul3A_269 = arith.mulf %get3A_268, %get3A_138 : vector<16xf32>
        %add3A_270 = arith.addf %add3A_264, %mul3A_269 : vector<16xf32>
        %get3A_271 = arith.index_cast %add3A_127 : i32 to index
        %get3A_272 = arith.constant 640 : index
        %get3A_273 = tpu.vector_load %arg11[%get3A_271, %get3A_272] {strides = array<i32>} : memref<56x768xf32, #tpu.memory_space<vmem>>, vector<1x16xf32>,
        %get3A_274 = vector.shape_cast %get3A_273 : vector<1x16xf32> to vector<16xf32>
        %mul3A_275 = arith.mulf %get3A_274, %get3A_142 : vector<16xf32>
        %add3A_276 = arith.addf %add3A_270, %mul3A_275 : vector<16xf32>
        %swap3A_277 = arith.index_cast %add3A_127 : i32 to index
        %swap3A_278 = arith.constant 64 : index
        %swap3A_279 = tpu.vector_load %arg13[%swap3A_277, %swap3A_278] {strides = array<i32>} : memref<56x192xf32, #tpu.memory_space<vmem>>, vector<1x16xf32>,
        %swap3A_280 = vector.shape_cast %swap3A_279 : vector<1x16xf32> to vector<16xf32>
        %swap3A_281 = vector.shape_cast %add3A_276 : vector<16xf32> to vector<1x16xf32>
        tpu.vector_store %arg13[%swap3A_277, %swap3A_278], %swap3A_281 {strides = array<i32>} : memref<56x192xf32, #tpu.memory_space<vmem>>, vector<1x16xf32>,
        %get3A_282 = arith.index_cast %add3A_127 : i32 to index
        %get3A_283 = arith.constant 80 : index
        %get3A_284 = tpu.vector_load %arg11[%get3A_282, %get3A_283] {strides = array<i32>} : memref<56x768xf32, #tpu.memory_space<vmem>>, vector<1x16xf32>,
        %get3A_285 = vector.shape_cast %get3A_284 : vector<1x16xf32> to vector<16xf32>
        %mul3A_286 = arith.mulf %get3A_285, %get3A_130 : vector<16xf32>
        %get3A_287 = arith.index_cast %add3A_127 : i32 to index
        %get3A_288 = arith.constant 272 : index
        %get3A_289 = tpu.vector_load %arg11[%get3A_287, %get3A_288] {strides = array<i32>} : memref<56x768xf32, #tpu.memory_space<vmem>>, vector<1x16xf32>,
        %get3A_290 = vector.shape_cast %get3A_289 : vector<1x16xf32> to vector<16xf32>
        %mul3A_291 = arith.mulf %get3A_290, %get3A_134 : vector<16xf32>
        %add3A_292 = arith.addf %mul3A_286, %mul3A_291 : vector<16xf32>
        %get3A_293 = arith.index_cast %add3A_127 : i32 to index
        %get3A_294 = arith.constant 464 : index
        %get3A_295 = tpu.vector_load %arg11[%get3A_293, %get3A_294] {strides = array<i32>} : memref<56x768xf32, #tpu.memory_space<vmem>>, vector<1x16xf32>,
        %get3A_296 = vector.shape_cast %get3A_295 : vector<1x16xf32> to vector<16xf32>
        %mul3A_297 = arith.mulf %get3A_296, %get3A_138 : vector<16xf32>
        %add3A_298 = arith.addf %add3A_292, %mul3A_297 : vector<16xf32>
        %get3A_299 = arith.index_cast %add3A_127 : i32 to index
        %get3A_300 = arith.constant 656 : index
        %get3A_301 = tpu.vector_load %arg11[%get3A_299, %get3A_300] {strides = array<i32>} : memref<56x768xf32, #tpu.memory_space<vmem>>, vector<1x16xf32>,
        %get3A_302 = vector.shape_cast %get3A_301 : vector<1x16xf32> to vector<16xf32>
        %mul3A_303 = arith.mulf %get3A_302, %get3A_142 : vector<16xf32>
        %add3A_304 = arith.addf %add3A_298, %mul3A_303 : vector<16xf32>
        %swap3A_305 = arith.index_cast %add3A_127 : i32 to index
        %swap3A_306 = arith.constant 80 : index
        %swap3A_307 = tpu.vector_load %arg13[%swap3A_305, %swap3A_306] {strides = array<i32>} : memref<56x192xf32, #tpu.memory_space<vmem>>, vector<1x16xf32>,
        %swap3A_308 = vector.shape_cast %swap3A_307 : vector<1x16xf32> to vector<16xf32>
        %swap3A_309 = vector.shape_cast %add3A_304 : vector<16xf32> to vector<1x16xf32>
        tpu.vector_store %arg13[%swap3A_305, %swap3A_306], %swap3A_309 {strides = array<i32>} : memref<56x192xf32, #tpu.memory_space<vmem>>, vector<1x16xf32>,
        %get3A_310 = arith.index_cast %add3A_127 : i32 to index
        %get3A_311 = arith.constant 96 : index
        %get3A_312 = tpu.vector_load %arg11[%get3A_310, %get3A_311] {strides = array<i32>} : memref<56x768xf32, #tpu.memory_space<vmem>>, vector<1x16xf32>,
        %get3A_313 = vector.shape_cast %get3A_312 : vector<1x16xf32> to vector<16xf32>
        %mul3A_314 = arith.mulf %get3A_313, %get3A_130 : vector<16xf32>
        %get3A_315 = arith.index_cast %add3A_127 : i32 to index
        %get3A_316 = arith.constant 288 : index
        %get3A_317 = tpu.vector_load %arg11[%get3A_315, %get3A_316] {strides = array<i32>} : memref<56x768xf32, #tpu.memory_space<vmem>>, vector<1x16xf32>,
        %get3A_318 = vector.shape_cast %get3A_317 : vector<1x16xf32> to vector<16xf32>
        %mul3A_319 = arith.mulf %get3A_318, %get3A_134 : vector<16xf32>
        %add3A_320 = arith.addf %mul3A_314, %mul3A_319 : vector<16xf32>
        %get3A_321 = arith.index_cast %add3A_127 : i32 to index
        %get3A_322 = arith.constant 480 : index
        %get3A_323 = tpu.vector_load %arg11[%get3A_321, %get3A_322] {strides = array<i32>} : memref<56x768xf32, #tpu.memory_space<vmem>>, vector<1x16xf32>,
        %get3A_324 = vector.shape_cast %get3A_323 : vector<1x16xf32> to vector<16xf32>
        %mul3A_325 = arith.mulf %get3A_324, %get3A_138 : vector<16xf32>
        %add3A_326 = arith.addf %add3A_320, %mul3A_325 : vector<16xf32>
        %get3A_327 = arith.index_cast %add3A_127 : i32 to index
        %get3A_328 = arith.constant 672 : index
        %get3A_329 = tpu.vector_load %arg11[%get3A_327, %get3A_328] {strides = array<i32>} : memref<56x768xf32, #tpu.memory_space<vmem>>, vector<1x16xf32>,
        %get3A_330 = vector.shape_cast %get3A_329 : vector<1x16xf32> to vector<16xf32>
        %mul3A_331 = arith.mulf %get3A_330, %get3A_142 : vector<16xf32>
        %add3A_332 = arith.addf %add3A_326, %mul3A_331 : vector<16xf32>
        %swap3A_333 = arith.index_cast %add3A_127 : i32 to index
        %swap3A_334 = arith.constant 96 : index
        %swap3A_335 = tpu.vector_load %arg13[%swap3A_333, %swap3A_334] {strides = array<i32>} : memref<56x192xf32, #tpu.memory_space<vmem>>, vector<1x16xf32>,
        %swap3A_336 = vector.shape_cast %swap3A_335 : vector<1x16xf32> to vector<16xf32>
        %swap3A_337 = vector.shape_cast %add3A_332 : vector<16xf32> to vector<1x16xf32>
        tpu.vector_store %arg13[%swap3A_333, %swap3A_334], %swap3A_337 {strides = array<i32>} : memref<56x192xf32, #tpu.memory_space<vmem>>, vector<1x16xf32>,
        %get3A_338 = arith.index_cast %add3A_127 : i32 to index
        %get3A_339 = arith.constant 112 : index
        %get3A_340 = tpu.vector_load %arg11[%get3A_338, %get3A_339] {strides = array<i32>} : memref<56x768xf32, #tpu.memory_space<vmem>>, vector<1x16xf32>,
        %get3A_341 = vector.shape_cast %get3A_340 : vector<1x16xf32> to vector<16xf32>
        %mul3A_342 = arith.mulf %get3A_341, %get3A_130 : vector<16xf32>
        %get3A_343 = arith.index_cast %add3A_127 : i32 to index
        %get3A_344 = arith.constant 304 : index
        %get3A_345 = tpu.vector_load %arg11[%get3A_343, %get3A_344] {strides = array<i32>} : memref<56x768xf32, #tpu.memory_space<vmem>>, vector<1x16xf32>,
        %get3A_346 = vector.shape_cast %get3A_345 : vector<1x16xf32> to vector<16xf32>
        %mul3A_347 = arith.mulf %get3A_346, %get3A_134 : vector<16xf32>
        %add3A_348 = arith.addf %mul3A_342, %mul3A_347 : vector<16xf32>
        %get3A_349 = arith.index_cast %add3A_127 : i32 to index
        %get3A_350 = arith.constant 496 : index
        %get3A_351 = tpu.vector_load %arg11[%get3A_349, %get3A_350] {strides = array<i32>} : memref<56x768xf32, #tpu.memory_space<vmem>>, vector<1x16xf32>,
        %get3A_352 = vector.shape_cast %get3A_351 : vector<1x16xf32> to vector<16xf32>
        %mul3A_353 = arith.mulf %get3A_352, %get3A_138 : vector<16xf32>
        %add3A_354 = arith.addf %add3A_348, %mul3A_353 : vector<16xf32>
        %get3A_355 = arith.index_cast %add3A_127 : i32 to index
        %get3A_356 = arith.constant 688 : index
        %get3A_357 = tpu.vector_load %arg11[%get3A_355, %get3A_356] {strides = array<i32>} : memref<56x768xf32, #tpu.memory_space<vmem>>, vector<1x16xf32>,
        %get3A_358 = vector.shape_cast %get3A_357 : vector<1x16xf32> to vector<16xf32>
        %mul3A_359 = arith.mulf %get3A_358, %get3A_142 : vector<16xf32>
        %add3A_360 = arith.addf %add3A_354, %mul3A_359 : vector<16xf32>
        %swap3A_361 = arith.index_cast %add3A_127 : i32 to index
        %swap3A_362 = arith.constant 112 : index
        %swap3A_363 = tpu.vector_load %arg13[%swap3A_361, %swap3A_362] {strides = array<i32>} : memref<56x192xf32, #tpu.memory_space<vmem>>, vector<1x16xf32>,
        %swap3A_364 = vector.shape_cast %swap3A_363 : vector<1x16xf32> to vector<16xf32>
        %swap3A_365 = vector.shape_cast %add3A_360 : vector<16xf32> to vector<1x16xf32>
        tpu.vector_store %arg13[%swap3A_361, %swap3A_362], %swap3A_365 {strides = array<i32>} : memref<56x192xf32, #tpu.memory_space<vmem>>, vector<1x16xf32>,
        %get3A_366 = arith.index_cast %add3A_127 : i32 to index
        %get3A_367 = arith.constant 128 : index
        %get3A_368 = tpu.vector_load %arg11[%get3A_366, %get3A_367] {strides = array<i32>} : memref<56x768xf32, #tpu.memory_space<vmem>>, vector<1x16xf32>,
        %get3A_369 = vector.shape_cast %get3A_368 : vector<1x16xf32> to vector<16xf32>
        %mul3A_370 = arith.mulf %get3A_369, %get3A_130 : vector<16xf32>
        %get3A_371 = arith.index_cast %add3A_127 : i32 to index
        %get3A_372 = arith.constant 320 : index
        %get3A_373 = tpu.vector_load %arg11[%get3A_371, %get3A_372] {strides = array<i32>} : memref<56x768xf32, #tpu.memory_space<vmem>>, vector<1x16xf32>,
        %get3A_374 = vector.shape_cast %get3A_373 : vector<1x16xf32> to vector<16xf32>
        %mul3A_375 = arith.mulf %get3A_374, %get3A_134 : vector<16xf32>
        %add3A_376 = arith.addf %mul3A_370, %mul3A_375 : vector<16xf32>
        %get3A_377 = arith.index_cast %add3A_127 : i32 to index
        %get3A_378 = arith.constant 512 : index
        %get3A_379 = tpu.vector_load %arg11[%get3A_377, %get3A_378] {strides = array<i32>} : memref<56x768xf32, #tpu.memory_space<vmem>>, vector<1x16xf32>,
        %get3A_380 = vector.shape_cast %get3A_379 : vector<1x16xf32> to vector<16xf32>
        %mul3A_381 = arith.mulf %get3A_380, %get3A_138 : vector<16xf32>
        %add3A_382 = arith.addf %add3A_376, %mul3A_381 : vector<16xf32>
        %get3A_383 = arith.index_cast %add3A_127 : i32 to index
        %get3A_384 = arith.constant 704 : index
        %get3A_385 = tpu.vector_load %arg11[%get3A_383, %get3A_384] {strides = array<i32>} : memref<56x768xf32, #tpu.memory_space<vmem>>, vector<1x16xf32>,
        %get3A_386 = vector.shape_cast %get3A_385 : vector<1x16xf32> to vector<16xf32>
        %mul3A_387 = arith.mulf %get3A_386, %get3A_142 : vector<16xf32>
        %add3A_388 = arith.addf %add3A_382, %mul3A_387 : vector<16xf32>
        %swap3A_389 = arith.index_cast %add3A_127 : i32 to index
        %swap3A_390 = arith.constant 128 : index
        %swap3A_391 = tpu.vector_load %arg13[%swap3A_389, %swap3A_390] {strides = array<i32>} : memref<56x192xf32, #tpu.memory_space<vmem>>, vector<1x16xf32>,
        %swap3A_392 = vector.shape_cast %swap3A_391 : vector<1x16xf32> to vector<16xf32>
        %swap3A_393 = vector.shape_cast %add3A_388 : vector<16xf32> to vector<1x16xf32>
        tpu.vector_store %arg13[%swap3A_389, %swap3A_390], %swap3A_393 {strides = array<i32>} : memref<56x192xf32, #tpu.memory_space<vmem>>, vector<1x16xf32>,
        %get3A_394 = arith.index_cast %add3A_127 : i32 to index
        %get3A_395 = arith.constant 144 : index
        %get3A_396 = tpu.vector_load %arg11[%get3A_394, %get3A_395] {strides = array<i32>} : memref<56x768xf32, #tpu.memory_space<vmem>>, vector<1x16xf32>,
        %get3A_397 = vector.shape_cast %get3A_396 : vector<1x16xf32> to vector<16xf32>
        %mul3A_398 = arith.mulf %get3A_397, %get3A_130 : vector<16xf32>
        %get3A_399 = arith.index_cast %add3A_127 : i32 to index
        %get3A_400 = arith.constant 336 : index
        %get3A_401 = tpu.vector_load %arg11[%get3A_399, %get3A_400] {strides = array<i32>} : memref<56x768xf32, #tpu.memory_space<vmem>>, vector<1x16xf32>,
        %get3A_402 = vector.shape_cast %get3A_401 : vector<1x16xf32> to vector<16xf32>
        %mul3A_403 = arith.mulf %get3A_402, %get3A_134 : vector<16xf32>
        %add3A_404 = arith.addf %mul3A_398, %mul3A_403 : vector<16xf32>
        %get3A_405 = arith.index_cast %add3A_127 : i32 to index
        %get3A_406 = arith.constant 528 : index
        %get3A_407 = tpu.vector_load %arg11[%get3A_405, %get3A_406] {strides = array<i32>} : memref<56x768xf32, #tpu.memory_space<vmem>>, vector<1x16xf32>,
        %get3A_408 = vector.shape_cast %get3A_407 : vector<1x16xf32> to vector<16xf32>
        %mul3A_409 = arith.mulf %get3A_408, %get3A_138 : vector<16xf32>
        %add3A_410 = arith.addf %add3A_404, %mul3A_409 : vector<16xf32>
        %get3A_411 = arith.index_cast %add3A_127 : i32 to index
        %get3A_412 = arith.constant 720 : index
        %get3A_413 = tpu.vector_load %arg11[%get3A_411, %get3A_412] {strides = array<i32>} : memref<56x768xf32, #tpu.memory_space<vmem>>, vector<1x16xf32>,
        %get3A_414 = vector.shape_cast %get3A_413 : vector<1x16xf32> to vector<16xf32>
        %mul3A_415 = arith.mulf %get3A_414, %get3A_142 : vector<16xf32>
        %add3A_416 = arith.addf %add3A_410, %mul3A_415 : vector<16xf32>
        %swap3A_417 = arith.index_cast %add3A_127 : i32 to index
        %swap3A_418 = arith.constant 144 : index
        %swap3A_419 = tpu.vector_load %arg13[%swap3A_417, %swap3A_418] {strides = array<i32>} : memref<56x192xf32, #tpu.memory_space<vmem>>, vector<1x16xf32>,
        %swap3A_420 = vector.shape_cast %swap3A_419 : vector<1x16xf32> to vector<16xf32>
        %swap3A_421 = vector.shape_cast %add3A_416 : vector<16xf32> to vector<1x16xf32>
        tpu.vector_store %arg13[%swap3A_417, %swap3A_418], %swap3A_421 {strides = array<i32>} : memref<56x192xf32, #tpu.memory_space<vmem>>, vector<1x16xf32>,
        %get3A_422 = arith.index_cast %add3A_127 : i32 to index
        %get3A_423 = arith.constant 160 : index
        %get3A_424 = tpu.vector_load %arg11[%get3A_422, %get3A_423] {strides = array<i32>} : memref<56x768xf32, #tpu.memory_space<vmem>>, vector<1x16xf32>,
        %get3A_425 = vector.shape_cast %get3A_424 : vector<1x16xf32> to vector<16xf32>
        %mul3A_426 = arith.mulf %get3A_425, %get3A_130 : vector<16xf32>
        %get3A_427 = arith.index_cast %add3A_127 : i32 to index
        %get3A_428 = arith.constant 352 : index
        %get3A_429 = tpu.vector_load %arg11[%get3A_427, %get3A_428] {strides = array<i32>} : memref<56x768xf32, #tpu.memory_space<vmem>>, vector<1x16xf32>,
        %get3A_430 = vector.shape_cast %get3A_429 : vector<1x16xf32> to vector<16xf32>
        %mul3A_431 = arith.mulf %get3A_430, %get3A_134 : vector<16xf32>
        %add3A_432 = arith.addf %mul3A_426, %mul3A_431 : vector<16xf32>
        %get3A_433 = arith.index_cast %add3A_127 : i32 to index
        %get3A_434 = arith.constant 544 : index
        %get3A_435 = tpu.vector_load %arg11[%get3A_433, %get3A_434] {strides = array<i32>} : memref<56x768xf32, #tpu.memory_space<vmem>>, vector<1x16xf32>,
        %get3A_436 = vector.shape_cast %get3A_435 : vector<1x16xf32> to vector<16xf32>
        %mul3A_437 = arith.mulf %get3A_436, %get3A_138 : vector<16xf32>
        %add3A_438 = arith.addf %add3A_432, %mul3A_437 : vector<16xf32>
        %get3A_439 = arith.index_cast %add3A_127 : i32 to index
        %get3A_440 = arith.constant 736 : index
        %get3A_441 = tpu.vector_load %arg11[%get3A_439, %get3A_440] {strides = array<i32>} : memref<56x768xf32, #tpu.memory_space<vmem>>, vector<1x16xf32>,
        %get3A_442 = vector.shape_cast %get3A_441 : vector<1x16xf32> to vector<16xf32>
        %mul3A_443 = arith.mulf %get3A_442, %get3A_142 : vector<16xf32>
        %add3A_444 = arith.addf %add3A_438, %mul3A_443 : vector<16xf32>
        %swap3A_445 = arith.index_cast %add3A_127 : i32 to index
        %swap3A_446 = arith.constant 160 : index
        %swap3A_447 = tpu.vector_load %arg13[%swap3A_445, %swap3A_446] {strides = array<i32>} : memref<56x192xf32, #tpu.memory_space<vmem>>, vector<1x16xf32>,
        %swap3A_448 = vector.shape_cast %swap3A_447 : vector<1x16xf32> to vector<16xf32>
        %swap3A_449 = vector.shape_cast %add3A_444 : vector<16xf32> to vector<1x16xf32>
        tpu.vector_store %arg13[%swap3A_445, %swap3A_446], %swap3A_449 {strides = array<i32>} : memref<56x192xf32, #tpu.memory_space<vmem>>, vector<1x16xf32>,
        %get3A_450 = arith.index_cast %add3A_127 : i32 to index
        %get3A_451 = arith.constant 176 : index
        %get3A_452 = tpu.vector_load %arg11[%get3A_450, %get3A_451] {strides = array<i32>} : memref<56x768xf32, #tpu.memory_space<vmem>>, vector<1x16xf32>,
        %get3A_453 = vector.shape_cast %get3A_452 : vector<1x16xf32> to vector<16xf32>
        %mul3A_454 = arith.mulf %get3A_453, %get3A_130 : vector<16xf32>
        %get3A_455 = arith.index_cast %add3A_127 : i32 to index
        %get3A_456 = arith.constant 368 : index
        %get3A_457 = tpu.vector_load %arg11[%get3A_455, %get3A_456] {strides = array<i32>} : memref<56x768xf32, #tpu.memory_space<vmem>>, vector<1x16xf32>,
        %get3A_458 = vector.shape_cast %get3A_457 : vector<1x16xf32> to vector<16xf32>
        %mul3A_459 = arith.mulf %get3A_458, %get3A_134 : vector<16xf32>
        %add3A_460 = arith.addf %mul3A_454, %mul3A_459 : vector<16xf32>
        %get3A_461 = arith.index_cast %add3A_127 : i32 to index
        %get3A_462 = arith.constant 560 : index
        %get3A_463 = tpu.vector_load %arg11[%get3A_461, %get3A_462] {strides = array<i32>} : memref<56x768xf32, #tpu.memory_space<vmem>>, vector<1x16xf32>,
        %get3A_464 = vector.shape_cast %get3A_463 : vector<1x16xf32> to vector<16xf32>
        %mul3A_465 = arith.mulf %get3A_464, %get3A_138 : vector<16xf32>
        %add3A_466 = arith.addf %add3A_460, %mul3A_465 : vector<16xf32>
        %get3A_467 = arith.index_cast %add3A_127 : i32 to index
        %get3A_468 = arith.constant 752 : index
        %get3A_469 = tpu.vector_load %arg11[%get3A_467, %get3A_468] {strides = array<i32>} : memref<56x768xf32, #tpu.memory_space<vmem>>, vector<1x16xf32>,
        %get3A_470 = vector.shape_cast %get3A_469 : vector<1x16xf32> to vector<16xf32>
        %mul3A_471 = arith.mulf %get3A_470, %get3A_142 : vector<16xf32>
        %add3A_472 = arith.addf %add3A_466, %mul3A_471 : vector<16xf32>
        %swap3A_473 = arith.index_cast %add3A_127 : i32 to index
        %swap3A_474 = arith.constant 176 : index
        %swap3A_475 = tpu.vector_load %arg13[%swap3A_473, %swap3A_474] {strides = array<i32>} : memref<56x192xf32, #tpu.memory_space<vmem>>, vector<1x16xf32>,
        %swap3A_476 = vector.shape_cast %swap3A_475 : vector<1x16xf32> to vector<16xf32>
        %swap3A_477 = vector.shape_cast %add3A_472 : vector<16xf32> to vector<1x16xf32>
        tpu.vector_store %arg13[%swap3A_473, %swap3A_474], %swap3A_477 {strides = array<i32>} : memref<56x192xf32, #tpu.memory_space<vmem>>, vector<1x16xf32>,
      }
      %scan3A_115 = arith.constant 56 : i32
      %mul3A_116 = arith.constant 56 : i32
      %mul3A_117 = arith.muli %add3A_81, %mul3A_116 : i32
      %add3A_118 = arith.addi %mul3A_2, %mul3A_117 : i32
      %dma_start3A_119 = arith.constant 0 : i32
      %dma_start3A_120 = tpu.memref_slice %arg5[%add3A_118, %dma_start3A_119] : memref<200704x192xf32, #tpu.memory_space<hbm>> -> memref<56x192xf32, #tpu.memory_space<hbm>>
      %dma_start3A_121 = arith.constant 0 : i32
      %dma_start3A_122 = tpu.memref_slice %arg5[%add3A_118, %dma_start3A_121] : memref<200704x192xf32, #tpu.memory_space<hbm>> -> memref<56x192xf32, #tpu.memory_space<hbm>>
      tpu.enqueue_dma source(%arg13 : memref<56x192xf32, #tpu.memory_space<vmem>>) target(%dma_start3A_122 : memref<56x192xf32, #tpu.memory_space<hbm>>) target_semaphore(%arg19 : memref<!tpu.dma_semaphore, #tpu.memory_space<semaphore_mem>>)
    }
    %scan3A_25 = arith.constant 56 : i32
    %add3A_26 = arith.constant 6160 : i32
    %add3A_27 = arith.addi %mul3A_2, %add3A_26 : i32
    %dma_wait3A_28 = arith.constant 0 : i32
    %dma_wait3A_29 = tpu.memref_slice %arg5[%add3A_27, %dma_wait3A_28] : memref<200704x192xf32, #tpu.memory_space<hbm>> -> memref<56x192xf32, #tpu.memory_space<hbm>>
    %dma_wait3A_30 = arith.constant 0 : i32
    %dma_wait3A_31 = tpu.memref_slice %arg5[%add3A_27, %dma_wait3A_30] : memref<200704x192xf32, #tpu.memory_space<hbm>> -> memref<56x192xf32, #tpu.memory_space<hbm>>
    tpu.wait_dma2 semaphore(%arg18 : memref<!tpu.dma_semaphore, #tpu.memory_space<semaphore_mem>>) src(%arg12 : memref<56x192xf32, #tpu.memory_space<vmem>>) dst(%dma_wait3A_31 : memref<56x192xf32, #tpu.memory_space<hbm>>)
    %add3A_32 = arith.constant 6216 : i32
    %add3A_33 = arith.addi %mul3A_2, %add3A_32 : i32
    %dma_wait3A_34 = arith.constant 0 : i32
    %dma_wait3A_35 = tpu.memref_slice %arg5[%add3A_33, %dma_wait3A_34] : memref<200704x192xf32, #tpu.memory_space<hbm>> -> memref<56x192xf32, #tpu.memory_space<hbm>>
    %dma_wait3A_36 = arith.constant 0 : i32
    %dma_wait3A_37 = tpu.memref_slice %arg5[%add3A_33, %dma_wait3A_36] : memref<200704x192xf32, #tpu.memory_space<hbm>> -> memref<56x192xf32, #tpu.memory_space<hbm>>
    tpu.wait_dma2 semaphore(%arg19 : memref<!tpu.dma_semaphore, #tpu.memory_space<semaphore_mem>>) src(%arg13 : memref<56x192xf32, #tpu.memory_space<vmem>>) dst(%dma_wait3A_37 : memref<56x192xf32, #tpu.memory_space<hbm>>)
    return
  }
}

module attributes {stable_mosaic.version = 14 : i64} {
  func.func @_tin_kernel(%arg0: i32, %arg1: i32, %arg2: memref<1x192x8x384xf32, #tpu.memory_space<vmem>>, %arg3: memref<1x192x8x384xf32, #tpu.memory_space<vmem>>, %arg4: memref<3072x768xf32, #tpu.memory_space<vmem>>) attributes {dimension_semantics = [#tpu.dimension_semantics<arbitrary>, #tpu.dimension_semantics<arbitrary>], iteration_bounds = array<i64: 4, 48>, scalar_prefetch = 0 : i64, scratch_operands = 0 : i64, tpu.core_type = #tpu.core_type<tc>, window_params = [{transform_indices = @transform_0, window_bounds = array<i64: 1, 192, 8, 384>}, {transform_indices = @transform_1, window_bounds = array<i64: 1, 192, 8, 384>}, {transform_indices = @transform_2, window_bounds = array<i64: 3072, 768>}]} {
    %get3A = arith.constant 0 : index
    %get3A_0 = arith.constant 0 : index
    %get3A_1 = arith.constant 0 : index
    %get3A_2 = arith.constant 0 : index
    %get3A_3 = vector.load %arg2[%get3A, %get3A_0, %get3A_1, %get3A_2] : memref<1x192x8x384xf32, #tpu.memory_space<vmem>>, vector<1x192x8x384xf32>
    %get3A_4 = vector.shape_cast %get3A_3 : vector<1x192x8x384xf32> to vector<192x8x384xf32>
    %reshape3A = vector.shape_cast %get3A_4 : vector<192x8x384xf32> to vector<192x3072xf32>
    %transpose3A = tpu.transpose %reshape3A, [1, 0] : vector<192x3072xf32> -> vector<3072x192xf32>
    %get3A_5 = arith.constant 0 : index
    %get3A_6 = arith.constant 0 : index
    %get3A_7 = arith.constant 0 : index
    %get3A_8 = arith.constant 0 : index
    %get3A_9 = vector.load %arg3[%get3A_5, %get3A_6, %get3A_7, %get3A_8] : memref<1x192x8x384xf32, #tpu.memory_space<vmem>>, vector<1x192x8x384xf32>
    %get3A_10 = vector.shape_cast %get3A_9 : vector<1x192x8x384xf32> to vector<192x8x384xf32>
    %reshape3A_11 = vector.shape_cast %get3A_10 : vector<192x8x384xf32> to vector<192x3072xf32>
    %slice3A = vector.extract_strided_slice %reshape3A_11 {offsets = [0, 0], sizes = [192, 384], strides = [1, 1]} : vector<192x3072xf32> to vector<192x384xf32>
    %transpose3A_12 = tpu.transpose %slice3A, [1, 0] : vector<192x384xf32> -> vector<384x192xf32>
    %slice3A_13 = vector.extract_strided_slice %transpose3A {offsets = [384, 0], sizes = [2688, 192], strides = [1, 1]} : vector<3072x192xf32> to vector<2688x192xf32>
    %concatenate3A = tpu.concatenate %slice3A_13, %transpose3A_12 in 0 : vector<2688x192xf32>, vector<384x192xf32> -> vector<3072x192xf32>
    %slice3A_14 = vector.extract_strided_slice %transpose3A {offsets = [1, 0], sizes = [3071, 192], strides = [1, 1]} : vector<3072x192xf32> to vector<3071x192xf32>
    %slice3A_15 = vector.extract_strided_slice %transpose3A {offsets = [0, 0], sizes = [1, 192], strides = [1, 1]} : vector<3072x192xf32> to vector<1x192xf32>
    %concatenate3A_16 = tpu.concatenate %slice3A_14, %slice3A_15 in 0 : vector<3071x192xf32>, vector<1x192xf32> -> vector<3072x192xf32>
    %slice3A_17 = vector.extract_strided_slice %concatenate3A {offsets = [1, 0], sizes = [3071, 192], strides = [1, 1]} : vector<3072x192xf32> to vector<3071x192xf32>
    %slice3A_18 = vector.extract_strided_slice %concatenate3A {offsets = [0, 0], sizes = [1, 192], strides = [1, 1]} : vector<3072x192xf32> to vector<1x192xf32>
    %concatenate3A_19 = tpu.concatenate %slice3A_17, %slice3A_18 in 0 : vector<3071x192xf32>, vector<1x192xf32> -> vector<3072x192xf32>
    %concatenate3A_20 = tpu.concatenate %transpose3A, %concatenate3A_16, %concatenate3A, %concatenate3A_19 in 1 : vector<3072x192xf32>, vector<3072x192xf32>, vector<3072x192xf32>, vector<3072x192xf32> -> vector<3072x768xf32>
    %swap3A = arith.constant 0 : index
    %swap3A_21 = arith.constant 0 : index
    %swap3A_22 = vector.load %arg4[%swap3A, %swap3A_21] : memref<3072x768xf32, #tpu.memory_space<vmem>>, vector<3072x768xf32>
    tpu.vector_store %arg4[%swap3A, %swap3A_21], %concatenate3A_20 {strides = array<i32>} : memref<3072x768xf32, #tpu.memory_space<vmem>>, vector<3072x768xf32>,
    return
  }
  func.func @transform_0(%arg0: i32, %arg1: i32) -> (i32, i32, i32, i32) {
    %c0_i32 = arith.constant 0 : i32
    %c0_i32_0 = arith.constant 0 : i32
    %c0_i32_1 = arith.constant 0 : i32
    return %arg0, %c0_i32, %arg1, %c0_i32_0 : i32, i32, i32, i32
  }
  func.func @transform_1(%arg0: i32, %arg1: i32) -> (i32, i32, i32, i32) {
    %add3A = arith.constant 1 : i32
    %add3A_0 = arith.addi %arg1, %add3A : i32
    %min3A = arith.constant 47 : i32
    %min3A_1 = arith.minsi %add3A_0, %min3A : i32
    %c0_i32 = arith.constant 0 : i32
    %c0_i32_2 = arith.constant 0 : i32
    %c0_i32_3 = arith.constant 0 : i32
    return %arg0, %c0_i32, %min3A_1, %c0_i32_2 : i32, i32, i32, i32
  }
  func.func @transform_2(%arg0: i32, %arg1: i32) -> (i32, i32) {
    %mul3A = arith.constant 48 : i32
    %mul3A_0 = arith.muli %arg0, %mul3A : i32
    %add3A = arith.addi %mul3A_0, %arg1 : i32
    %c0_i32 = arith.constant 0 : i32
    %c0_i32_1 = arith.constant 0 : i32
    return %add3A, %c0_i32 : i32, i32
  }
}

module attributes {stable_mosaic.version = 14 : i64} {
  func.func @_w_kernel(%arg0: i32, %arg1: i32, %arg2: memref<1x1x6xf32, #tpu.memory_space<smem>>, %arg3: memref<1024x64xf32, #tpu.memory_space<vmem>>) attributes {dimension_semantics = [#tpu.dimension_semantics<arbitrary>, #tpu.dimension_semantics<arbitrary>], iteration_bounds = array<i64: 4, 49>, scalar_prefetch = 0 : i64, scratch_operands = 0 : i64, tpu.core_type = #tpu.core_type<tc>, window_params = [{transform_indices = @transform_0, window_bounds = array<i64: 1, 1, 6>}, {transform_indices = @transform_1, window_bounds = array<i64: 1024, 64>}]} {
    %mul3A = arith.constant 1024 : i32
    %mul3A_0 = arith.muli %arg1, %mul3A : i32
    %iota3A = tpu.iota {dimensions = array<i32: 0>} : vector<1024x16xi32>
    %add3A = vector.broadcast %mul3A_0 : i32 to vector<1024x16xi32>
    %add3A_1 = arith.addi %add3A, %iota3A : vector<1024x16xi32>
    %convert_element_type3A = arith.sitofp %add3A_1 : vector<1024x16xi32> to vector<1024x16xf32>
    %add3A_2 = arith.constant 5.000000e-01 : f32
    %add3A_3 = vector.broadcast %add3A_2 : f32 to vector<1024x16xf32>
    %add3A_4 = arith.addf %convert_element_type3A, %add3A_3 : vector<1024x16xf32>
    %mul3A_5 = arith.constant 0.00446428591 : f32
    %mul3A_6 = vector.broadcast %mul3A_5 : f32 to vector<1024x16xf32>
    %mul3A_7 = arith.mulf %add3A_4, %mul3A_6 : vector<1024x16xf32>
    %floor3A = math.floor %mul3A_7 : vector<1024x16xf32>
    %mul3A_8 = arith.constant 2.240000e+02 : f32
    %mul3A_9 = vector.broadcast %mul3A_8 : f32 to vector<1024x16xf32>
    %mul3A_10 = arith.mulf %floor3A, %mul3A_9 : vector<1024x16xf32>
    %sub3A = arith.subf %convert_element_type3A, %mul3A_10 : vector<1024x16xf32>
    %mul3A_11 = arith.constant 8.968610e-03 : f32
    %mul3A_12 = vector.broadcast %mul3A_11 : f32 to vector<1024x16xf32>
    %mul3A_13 = arith.mulf %sub3A, %mul3A_12 : vector<1024x16xf32>
    %sub3A_14 = arith.constant 1.000000e+00 : f32
    %sub3A_15 = vector.broadcast %sub3A_14 : f32 to vector<1024x16xf32>
    %sub3A_16 = arith.subf %mul3A_13, %sub3A_15 : vector<1024x16xf32>
    %convert_element_type3A_17 = arith.truncf %sub3A_16 : vector<1024x16xf32> to vector<1024x16xbf16>
    %convert_element_type3A_18 = arith.extf %convert_element_type3A_17 : vector<1024x16xbf16> to vector<1024x16xf32>
    %mul3A_19 = arith.constant 8.968610e-03 : f32
    %mul3A_20 = vector.broadcast %mul3A_19 : f32 to vector<1024x16xf32>
    %mul3A_21 = arith.mulf %floor3A, %mul3A_20 : vector<1024x16xf32>
    %sub3A_22 = arith.constant 1.000000e+00 : f32
    %sub3A_23 = vector.broadcast %sub3A_22 : f32 to vector<1024x16xf32>
    %sub3A_24 = arith.subf %mul3A_21, %sub3A_23 : vector<1024x16xf32>
    %convert_element_type3A_25 = arith.truncf %sub3A_24 : vector<1024x16xf32> to vector<1024x16xbf16>
    %convert_element_type3A_26 = arith.extf %convert_element_type3A_25 : vector<1024x16xbf16> to vector<1024x16xf32>
    %get3A = arith.constant 0 : index
    %get3A_27 = arith.constant 0 : index
    %get3A_28 = arith.constant 0 : index
    %get3A_29 = memref.load %arg2[%get3A, %get3A_27, %get3A_28] : memref<1x1x6xf32, #tpu.memory_space<smem>>
    %convert_element_type3A_30 = arith.truncf %get3A_29 : f32 to bf16
    %convert_element_type3A_31 = arith.extf %convert_element_type3A_30 : bf16 to f32
    %get3A_32 = arith.constant 0 : index
    %get3A_33 = arith.constant 0 : index
    %get3A_34 = arith.constant 1 : index
    %get3A_35 = memref.load %arg2[%get3A_32, %get3A_33, %get3A_34] : memref<1x1x6xf32, #tpu.memory_space<smem>>
    %convert_element_type3A_36 = arith.truncf %get3A_35 : f32 to bf16
    %convert_element_type3A_37 = arith.extf %convert_element_type3A_36 : bf16 to f32
    %get3A_38 = arith.constant 0 : index
    %get3A_39 = arith.constant 0 : index
    %get3A_40 = arith.constant 2 : index
    %get3A_41 = memref.load %arg2[%get3A_38, %get3A_39, %get3A_40] : memref<1x1x6xf32, #tpu.memory_space<smem>>
    %convert_element_type3A_42 = arith.truncf %get3A_41 : f32 to bf16
    %convert_element_type3A_43 = arith.extf %convert_element_type3A_42 : bf16 to f32
    %get3A_44 = arith.constant 0 : index
    %get3A_45 = arith.constant 0 : index
    %get3A_46 = arith.constant 3 : index
    %get3A_47 = memref.load %arg2[%get3A_44, %get3A_45, %get3A_46] : memref<1x1x6xf32, #tpu.memory_space<smem>>
    %convert_element_type3A_48 = arith.truncf %get3A_47 : f32 to bf16
    %convert_element_type3A_49 = arith.extf %convert_element_type3A_48 : bf16 to f32
    %get3A_50 = arith.constant 0 : index
    %get3A_51 = arith.constant 0 : index
    %get3A_52 = arith.constant 4 : index
    %get3A_53 = memref.load %arg2[%get3A_50, %get3A_51, %get3A_52] : memref<1x1x6xf32, #tpu.memory_space<smem>>
    %convert_element_type3A_54 = arith.truncf %get3A_53 : f32 to bf16
    %convert_element_type3A_55 = arith.extf %convert_element_type3A_54 : bf16 to f32
    %get3A_56 = arith.constant 0 : index
    %get3A_57 = arith.constant 0 : index
    %get3A_58 = arith.constant 5 : index
    %get3A_59 = memref.load %arg2[%get3A_56, %get3A_57, %get3A_58] : memref<1x1x6xf32, #tpu.memory_space<smem>>
    %convert_element_type3A_60 = arith.truncf %get3A_59 : f32 to bf16
    %convert_element_type3A_61 = arith.extf %convert_element_type3A_60 : bf16 to f32
    %mul3A_62 = vector.broadcast %convert_element_type3A_31 : f32 to vector<1024x16xf32>
    %mul3A_63 = arith.mulf %mul3A_62, %convert_element_type3A_18 : vector<1024x16xf32>
    %mul3A_64 = vector.broadcast %convert_element_type3A_37 : f32 to vector<1024x16xf32>
    %mul3A_65 = arith.mulf %mul3A_64, %convert_element_type3A_26 : vector<1024x16xf32>
    %add3A_66 = arith.addf %mul3A_63, %mul3A_65 : vector<1024x16xf32>
    %add3A_67 = vector.broadcast %convert_element_type3A_43 : f32 to vector<1024x16xf32>
    %add3A_68 = arith.addf %add3A_66, %add3A_67 : vector<1024x16xf32>
    %add3A_69 = arith.constant 1.000000e+00 : f32
    %add3A_70 = vector.broadcast %add3A_69 : f32 to vector<1024x16xf32>
    %add3A_71 = arith.addf %add3A_68, %add3A_70 : vector<1024x16xf32>
    %mul3A_72 = arith.constant 1.915000e+02 : f32
    %mul3A_73 = vector.broadcast %mul3A_72 : f32 to vector<1024x16xf32>
    %mul3A_74 = arith.mulf %add3A_71, %mul3A_73 : vector<1024x16xf32>
    %mul3A_75 = vector.broadcast %convert_element_type3A_49 : f32 to vector<1024x16xf32>
    %mul3A_76 = arith.mulf %mul3A_75, %convert_element_type3A_18 : vector<1024x16xf32>
    %mul3A_77 = vector.broadcast %convert_element_type3A_55 : f32 to vector<1024x16xf32>
    %mul3A_78 = arith.mulf %mul3A_77, %convert_element_type3A_26 : vector<1024x16xf32>
    %add3A_79 = arith.addf %mul3A_76, %mul3A_78 : vector<1024x16xf32>
    %add3A_80 = vector.broadcast %convert_element_type3A_61 : f32 to vector<1024x16xf32>
    %add3A_81 = arith.addf %add3A_79, %add3A_80 : vector<1024x16xf32>
    %add3A_82 = arith.constant 1.000000e+00 : f32
    %add3A_83 = vector.broadcast %add3A_82 : f32 to vector<1024x16xf32>
    %add3A_84 = arith.addf %add3A_81, %add3A_83 : vector<1024x16xf32>
    %mul3A_85 = arith.constant 1.915000e+02 : f32
    %mul3A_86 = vector.broadcast %mul3A_85 : f32 to vector<1024x16xf32>
    %mul3A_87 = arith.mulf %add3A_84, %mul3A_86 : vector<1024x16xf32>
    %floor3A_88 = math.floor %mul3A_74 : vector<1024x16xf32>
    %floor3A_89 = math.floor %mul3A_87 : vector<1024x16xf32>
    %jit3A = arith.constant 0.000000e+00 : f32
    %jit3A_90 = arith.constant 3.830000e+02 : f32
    %max3A = vector.broadcast %jit3A : f32 to vector<1024x16xf32>
    %max3A_91 = arith.maximumf %max3A, %floor3A_88 : vector<1024x16xf32>
    %min3A = vector.broadcast %jit3A_90 : f32 to vector<1024x16xf32>
    %min3A_92 = arith.minimumf %min3A, %max3A_91 : vector<1024x16xf32>
    %jit3A_93 = arith.constant 0.000000e+00 : f32
    %jit3A_94 = arith.constant 3.830000e+02 : f32
    %max3A_95 = vector.broadcast %jit3A_93 : f32 to vector<1024x16xf32>
    %max3A_96 = arith.maximumf %max3A_95, %floor3A_89 : vector<1024x16xf32>
    %min3A_97 = vector.broadcast %jit3A_94 : f32 to vector<1024x16xf32>
    %min3A_98 = arith.minimumf %min3A_97, %max3A_96 : vector<1024x16xf32>
    %sub3A_99 = arith.subf %mul3A_74, %min3A_92 : vector<1024x16xf32>
    %add3A_100 = arith.constant 1.000000e+00 : f32
    %add3A_101 = vector.broadcast %add3A_100 : f32 to vector<1024x16xf32>
    %add3A_102 = arith.addf %min3A_92, %add3A_101 : vector<1024x16xf32>
    %sub3A_103 = arith.subf %add3A_102, %mul3A_74 : vector<1024x16xf32>
    %sub3A_104 = arith.subf %mul3A_87, %min3A_98 : vector<1024x16xf32>
    %add3A_105 = arith.constant 1.000000e+00 : f32
    %add3A_106 = vector.broadcast %add3A_105 : f32 to vector<1024x16xf32>
    %add3A_107 = arith.addf %min3A_98, %add3A_106 : vector<1024x16xf32>
    %sub3A_108 = arith.subf %add3A_107, %mul3A_87 : vector<1024x16xf32>
    %mul3A_109 = arith.mulf %sub3A_103, %sub3A_108 : vector<1024x16xf32>
    %mul3A_110 = arith.mulf %sub3A_103, %sub3A_104 : vector<1024x16xf32>
    %mul3A_111 = arith.mulf %sub3A_99, %sub3A_108 : vector<1024x16xf32>
    %mul3A_112 = arith.mulf %sub3A_99, %sub3A_104 : vector<1024x16xf32>
    %add3A_113 = arith.constant 1.000000e+00 : f32
    %add3A_114 = vector.broadcast %add3A_113 : f32 to vector<1024x16xf32>
    %add3A_115 = arith.addf %floor3A_88, %add3A_114 : vector<1024x16xf32>
    %jit3A_116 = arith.constant 0.000000e+00 : f32
    %jit3A_117 = arith.constant 3.830000e+02 : f32
    %max3A_118 = vector.broadcast %jit3A_116 : f32 to vector<1024x16xf32>
    %max3A_119 = arith.maximumf %max3A_118, %add3A_115 : vector<1024x16xf32>
    %min3A_120 = vector.broadcast %jit3A_117 : f32 to vector<1024x16xf32>
    %min3A_121 = arith.minimumf %min3A_120, %max3A_119 : vector<1024x16xf32>
    %eq3A = arith.cmpf oeq, %min3A_121, %min3A_92 : vector<1024x16xf32>
    %convert_element_type3A_122 = arith.extui %eq3A : vector<1024x16xi1> to vector<1024x16xi32>
    %convert_element_type3A_123 = arith.sitofp %convert_element_type3A_122 : vector<1024x16xi32> to vector<1024x16xf32>
    %add3A_124 = arith.constant 1.000000e+00 : f32
    %add3A_125 = vector.broadcast %add3A_124 : f32 to vector<1024x16xf32>
    %add3A_126 = arith.addf %floor3A_89, %add3A_125 : vector<1024x16xf32>
    %jit3A_127 = arith.constant 0.000000e+00 : f32
    %jit3A_128 = arith.constant 3.830000e+02 : f32
    %max3A_129 = vector.broadcast %jit3A_127 : f32 to vector<1024x16xf32>
    %max3A_130 = arith.maximumf %max3A_129, %add3A_126 : vector<1024x16xf32>
    %min3A_131 = vector.broadcast %jit3A_128 : f32 to vector<1024x16xf32>
    %min3A_132 = arith.minimumf %min3A_131, %max3A_130 : vector<1024x16xf32>
    %eq3A_133 = arith.cmpf oeq, %min3A_132, %min3A_98 : vector<1024x16xf32>
    %convert_element_type3A_134 = arith.extui %eq3A_133 : vector<1024x16xi1> to vector<1024x16xi32>
    %convert_element_type3A_135 = arith.sitofp %convert_element_type3A_134 : vector<1024x16xi32> to vector<1024x16xf32>
    %mul3A_136 = arith.mulf %mul3A_111, %convert_element_type3A_123 : vector<1024x16xf32>
    %add3A_137 = arith.addf %mul3A_109, %mul3A_136 : vector<1024x16xf32>
    %mul3A_138 = arith.mulf %mul3A_110, %convert_element_type3A_135 : vector<1024x16xf32>
    %add3A_139 = arith.addf %add3A_137, %mul3A_138 : vector<1024x16xf32>
    %mul3A_140 = arith.mulf %convert_element_type3A_123, %convert_element_type3A_135 : vector<1024x16xf32>
    %mul3A_141 = arith.mulf %mul3A_112, %mul3A_140 : vector<1024x16xf32>
    %add3A_142 = arith.addf %add3A_139, %mul3A_141 : vector<1024x16xf32>
    %swap3A = arith.constant 0 : index
    %swap3A_143 = arith.constant 0 : index
    %swap3A_144 = vector.load %arg3[%swap3A, %swap3A_143] : memref<1024x64xf32, #tpu.memory_space<vmem>>, vector<1024x16xf32>
    tpu.vector_store %arg3[%swap3A, %swap3A_143], %add3A_142 {strides = array<i32>} : memref<1024x64xf32, #tpu.memory_space<vmem>>, vector<1024x16xf32>,
    %sub3A_145 = arith.constant 1.000000e+00 : f32
    %sub3A_146 = vector.broadcast %sub3A_145 : f32 to vector<1024x16xf32>
    %sub3A_147 = arith.subf %sub3A_146, %convert_element_type3A_123 : vector<1024x16xf32>
    %mul3A_148 = arith.mulf %mul3A_112, %convert_element_type3A_135 : vector<1024x16xf32>
    %add3A_149 = arith.addf %mul3A_111, %mul3A_148 : vector<1024x16xf32>
    %mul3A_150 = arith.mulf %sub3A_147, %add3A_149 : vector<1024x16xf32>
    %swap3A_151 = arith.constant 0 : index
    %swap3A_152 = arith.constant 16 : index
    %swap3A_153 = vector.load %arg3[%swap3A_151, %swap3A_152] : memref<1024x64xf32, #tpu.memory_space<vmem>>, vector<1024x16xf32>
    tpu.vector_store %arg3[%swap3A_151, %swap3A_152], %mul3A_150 {strides = array<i32>} : memref<1024x64xf32, #tpu.memory_space<vmem>>, vector<1024x16xf32>,
    %sub3A_154 = arith.constant 1.000000e+00 : f32
    %sub3A_155 = vector.broadcast %sub3A_154 : f32 to vector<1024x16xf32>
    %sub3A_156 = arith.subf %sub3A_155, %convert_element_type3A_135 : vector<1024x16xf32>
    %mul3A_157 = arith.mulf %mul3A_112, %convert_element_type3A_123 : vector<1024x16xf32>
    %add3A_158 = arith.addf %mul3A_110, %mul3A_157 : vector<1024x16xf32>
    %mul3A_159 = arith.mulf %sub3A_156, %add3A_158 : vector<1024x16xf32>
    %swap3A_160 = arith.constant 0 : index
    %swap3A_161 = arith.constant 32 : index
    %swap3A_162 = vector.load %arg3[%swap3A_160, %swap3A_161] : memref<1024x64xf32, #tpu.memory_space<vmem>>, vector<1024x16xf32>
    tpu.vector_store %arg3[%swap3A_160, %swap3A_161], %mul3A_159 {strides = array<i32>} : memref<1024x64xf32, #tpu.memory_space<vmem>>, vector<1024x16xf32>,
    %sub3A_163 = arith.constant 1.000000e+00 : f32
    %sub3A_164 = vector.broadcast %sub3A_163 : f32 to vector<1024x16xf32>
    %sub3A_165 = arith.subf %sub3A_164, %convert_element_type3A_123 : vector<1024x16xf32>
    %sub3A_166 = arith.constant 1.000000e+00 : f32
    %sub3A_167 = vector.broadcast %sub3A_166 : f32 to vector<1024x16xf32>
    %sub3A_168 = arith.subf %sub3A_167, %convert_element_type3A_135 : vector<1024x16xf32>
    %mul3A_169 = arith.mulf %sub3A_165, %sub3A_168 : vector<1024x16xf32>
    %mul3A_170 = arith.mulf %mul3A_169, %mul3A_112 : vector<1024x16xf32>
    %swap3A_171 = arith.constant 0 : index
    %swap3A_172 = arith.constant 48 : index
    %swap3A_173 = vector.load %arg3[%swap3A_171, %swap3A_172] : memref<1024x64xf32, #tpu.memory_space<vmem>>, vector<1024x16xf32>
    tpu.vector_store %arg3[%swap3A_171, %swap3A_172], %mul3A_170 {strides = array<i32>} : memref<1024x64xf32, #tpu.memory_space<vmem>>, vector<1024x16xf32>,
    return
  }
  func.func @transform_0(%arg0: i32, %arg1: i32) -> (i32, i32, i32) {
    %c0_i32 = arith.constant 0 : i32
    %c0_i32_0 = arith.constant 0 : i32
    %c0_i32_1 = arith.constant 0 : i32
    return %arg0, %c0_i32, %c0_i32_0 : i32, i32, i32
  }
  func.func @transform_1(%arg0: i32, %arg1: i32) -> (i32, i32) {
    %mul3A = arith.constant 49 : i32
    %mul3A_0 = arith.muli %arg0, %mul3A : i32
    %add3A = arith.addi %mul3A_0, %arg1 : i32
    %c0_i32 = arith.constant 0 : i32
    %c0_i32_1 = arith.constant 0 : i32
    return %add3A, %c0_i32 : i32, i32
  }
}

module attributes {stable_mosaic.version = 14 : i64} {
  func.func @_tout_kernel(%arg0: i32, %arg1: i32, %arg2: memref<512x192xf32, #tpu.memory_space<vmem>>, %arg3: memref<1x192x512xf32, #tpu.memory_space<vmem>>) attributes {dimension_semantics = [#tpu.dimension_semantics<arbitrary>, #tpu.dimension_semantics<arbitrary>], iteration_bounds = array<i64: 4, 98>, scalar_prefetch = 0 : i64, scratch_operands = 0 : i64, tpu.core_type = #tpu.core_type<tc>, window_params = [{transform_indices = @transform_0, window_bounds = array<i64: 512, 192>}, {transform_indices = @transform_1, window_bounds = array<i64: 1, 192, 512>}]} {
    %get3A = arith.constant 0 : index
    %get3A_0 = arith.constant 0 : index
    %get3A_1 = vector.load %arg2[%get3A, %get3A_0] : memref<512x192xf32, #tpu.memory_space<vmem>>, vector<512x192xf32>
    %transpose3A = tpu.transpose %get3A_1, [1, 0] : vector<512x192xf32> -> vector<192x512xf32>
    %broadcast_in_dim3A = vector.shape_cast %transpose3A : vector<192x512xf32> to vector<1x192x512xf32>
    %swap3A = arith.constant 0 : index
    %swap3A_2 = arith.constant 0 : index
    %swap3A_3 = arith.constant 0 : index
    %swap3A_4 = vector.load %arg3[%swap3A, %swap3A_2, %swap3A_3] : memref<1x192x512xf32, #tpu.memory_space<vmem>>, vector<1x192x512xf32>
    tpu.vector_store %arg3[%swap3A, %swap3A_2, %swap3A_3], %broadcast_in_dim3A {strides = array<i32>} : memref<1x192x512xf32, #tpu.memory_space<vmem>>, vector<1x192x512xf32>,
    return
  }
  func.func @transform_0(%arg0: i32, %arg1: i32) -> (i32, i32) {
    %mul3A = arith.constant 98 : i32
    %mul3A_0 = arith.muli %arg0, %mul3A : i32
    %add3A = arith.addi %mul3A_0, %arg1 : i32
    %c0_i32 = arith.constant 0 : i32
    %c0_i32_1 = arith.constant 0 : i32
    return %add3A, %c0_i32 : i32, i32
  }
  func.func @transform_1(%arg0: i32, %arg1: i32) -> (i32, i32, i32) {
    %c0_i32 = arith.constant 0 : i32
    %c0_i32_0 = arith.constant 0 : i32
    return %arg0, %c0_i32, %arg1 : i32, i32, i32
  }
}

module attributes {stable_mosaic.version = 14 : i64} {
  func.func @_idx_kernel(%arg0: i32, %arg1: i32, %arg2: memref<1x1x6xf32, #tpu.memory_space<smem>>, %arg3: memref<8x128xi32, #tpu.memory_space<vmem>>) attributes {dimension_semantics = [#tpu.dimension_semantics<arbitrary>, #tpu.dimension_semantics<arbitrary>], iteration_bounds = array<i64: 4, 49>, scalar_prefetch = 0 : i64, scratch_operands = 0 : i64, tpu.core_type = #tpu.core_type<tc>, window_params = [{transform_indices = @transform_0, window_bounds = array<i64: 1, 1, 6>}, {transform_indices = @transform_1, window_bounds = array<i64: 8, 128>}]} {
    %mul3A = arith.constant 1024 : i32
    %mul3A_0 = arith.muli %arg1, %mul3A : i32
    %iota3A = tpu.iota {dimensions = array<i32: 0>} : vector<8x128xi32>
    %mul3A_1 = arith.constant 128 : i32
    %mul3A_2 = vector.broadcast %mul3A_1 : i32 to vector<8x128xi32>
    %mul3A_3 = arith.muli %iota3A, %mul3A_2 : vector<8x128xi32>
    %add3A = vector.broadcast %mul3A_0 : i32 to vector<8x128xi32>
    %add3A_4 = arith.addi %add3A, %mul3A_3 : vector<8x128xi32>
    %iota3A_5 = tpu.iota {dimensions = array<i32: 1>} : vector<8x128xi32>
    %add3A_6 = arith.addi %add3A_4, %iota3A_5 : vector<8x128xi32>
    %convert_element_type3A = arith.sitofp %add3A_6 : vector<8x128xi32> to vector<8x128xf32>
    %add3A_7 = arith.constant 5.000000e-01 : f32
    %add3A_8 = vector.broadcast %add3A_7 : f32 to vector<8x128xf32>
    %add3A_9 = arith.addf %convert_element_type3A, %add3A_8 : vector<8x128xf32>
    %mul3A_10 = arith.constant 0.00446428591 : f32
    %mul3A_11 = vector.broadcast %mul3A_10 : f32 to vector<8x128xf32>
    %mul3A_12 = arith.mulf %add3A_9, %mul3A_11 : vector<8x128xf32>
    %floor3A = math.floor %mul3A_12 : vector<8x128xf32>
    %mul3A_13 = arith.constant 2.240000e+02 : f32
    %mul3A_14 = vector.broadcast %mul3A_13 : f32 to vector<8x128xf32>
    %mul3A_15 = arith.mulf %floor3A, %mul3A_14 : vector<8x128xf32>
    %sub3A = arith.subf %convert_element_type3A, %mul3A_15 : vector<8x128xf32>
    %mul3A_16 = arith.constant 8.968610e-03 : f32
    %mul3A_17 = vector.broadcast %mul3A_16 : f32 to vector<8x128xf32>
    %mul3A_18 = arith.mulf %sub3A, %mul3A_17 : vector<8x128xf32>
    %sub3A_19 = arith.constant 1.000000e+00 : f32
    %sub3A_20 = vector.broadcast %sub3A_19 : f32 to vector<8x128xf32>
    %sub3A_21 = arith.subf %mul3A_18, %sub3A_20 : vector<8x128xf32>
    %convert_element_type3A_22 = arith.truncf %sub3A_21 : vector<8x128xf32> to vector<8x128xbf16>
    %convert_element_type3A_23 = arith.extf %convert_element_type3A_22 : vector<8x128xbf16> to vector<8x128xf32>
    %mul3A_24 = arith.constant 8.968610e-03 : f32
    %mul3A_25 = vector.broadcast %mul3A_24 : f32 to vector<8x128xf32>
    %mul3A_26 = arith.mulf %floor3A, %mul3A_25 : vector<8x128xf32>
    %sub3A_27 = arith.constant 1.000000e+00 : f32
    %sub3A_28 = vector.broadcast %sub3A_27 : f32 to vector<8x128xf32>
    %sub3A_29 = arith.subf %mul3A_26, %sub3A_28 : vector<8x128xf32>
    %convert_element_type3A_30 = arith.truncf %sub3A_29 : vector<8x128xf32> to vector<8x128xbf16>
    %convert_element_type3A_31 = arith.extf %convert_element_type3A_30 : vector<8x128xbf16> to vector<8x128xf32>
    %get3A = arith.constant 0 : index
    %get3A_32 = arith.constant 0 : index
    %get3A_33 = arith.constant 0 : index
    %get3A_34 = memref.load %arg2[%get3A, %get3A_32, %get3A_33] : memref<1x1x6xf32, #tpu.memory_space<smem>>
    %convert_element_type3A_35 = arith.truncf %get3A_34 : f32 to bf16
    %convert_element_type3A_36 = arith.extf %convert_element_type3A_35 : bf16 to f32
    %get3A_37 = arith.constant 0 : index
    %get3A_38 = arith.constant 0 : index
    %get3A_39 = arith.constant 1 : index
    %get3A_40 = memref.load %arg2[%get3A_37, %get3A_38, %get3A_39] : memref<1x1x6xf32, #tpu.memory_space<smem>>
    %convert_element_type3A_41 = arith.truncf %get3A_40 : f32 to bf16
    %convert_element_type3A_42 = arith.extf %convert_element_type3A_41 : bf16 to f32
    %get3A_43 = arith.constant 0 : index
    %get3A_44 = arith.constant 0 : index
    %get3A_45 = arith.constant 2 : index
    %get3A_46 = memref.load %arg2[%get3A_43, %get3A_44, %get3A_45] : memref<1x1x6xf32, #tpu.memory_space<smem>>
    %convert_element_type3A_47 = arith.truncf %get3A_46 : f32 to bf16
    %convert_element_type3A_48 = arith.extf %convert_element_type3A_47 : bf16 to f32
    %get3A_49 = arith.constant 0 : index
    %get3A_50 = arith.constant 0 : index
    %get3A_51 = arith.constant 3 : index
    %get3A_52 = memref.load %arg2[%get3A_49, %get3A_50, %get3A_51] : memref<1x1x6xf32, #tpu.memory_space<smem>>
    %convert_element_type3A_53 = arith.truncf %get3A_52 : f32 to bf16
    %convert_element_type3A_54 = arith.extf %convert_element_type3A_53 : bf16 to f32
    %get3A_55 = arith.constant 0 : index
    %get3A_56 = arith.constant 0 : index
    %get3A_57 = arith.constant 4 : index
    %get3A_58 = memref.load %arg2[%get3A_55, %get3A_56, %get3A_57] : memref<1x1x6xf32, #tpu.memory_space<smem>>
    %convert_element_type3A_59 = arith.truncf %get3A_58 : f32 to bf16
    %convert_element_type3A_60 = arith.extf %convert_element_type3A_59 : bf16 to f32
    %get3A_61 = arith.constant 0 : index
    %get3A_62 = arith.constant 0 : index
    %get3A_63 = arith.constant 5 : index
    %get3A_64 = memref.load %arg2[%get3A_61, %get3A_62, %get3A_63] : memref<1x1x6xf32, #tpu.memory_space<smem>>
    %convert_element_type3A_65 = arith.truncf %get3A_64 : f32 to bf16
    %convert_element_type3A_66 = arith.extf %convert_element_type3A_65 : bf16 to f32
    %mul3A_67 = vector.broadcast %convert_element_type3A_36 : f32 to vector<8x128xf32>
    %mul3A_68 = arith.mulf %mul3A_67, %convert_element_type3A_23 : vector<8x128xf32>
    %mul3A_69 = vector.broadcast %convert_element_type3A_42 : f32 to vector<8x128xf32>
    %mul3A_70 = arith.mulf %mul3A_69, %convert_element_type3A_31 : vector<8x128xf32>
    %add3A_71 = arith.addf %mul3A_68, %mul3A_70 : vector<8x128xf32>
    %add3A_72 = vector.broadcast %convert_element_type3A_48 : f32 to vector<8x128xf32>
    %add3A_73 = arith.addf %add3A_71, %add3A_72 : vector<8x128xf32>
    %add3A_74 = arith.constant 1.000000e+00 : f32
    %add3A_75 = vector.broadcast %add3A_74 : f32 to vector<8x128xf32>
    %add3A_76 = arith.addf %add3A_73, %add3A_75 : vector<8x128xf32>
    %mul3A_77 = arith.constant 1.915000e+02 : f32
    %mul3A_78 = vector.broadcast %mul3A_77 : f32 to vector<8x128xf32>
    %mul3A_79 = arith.mulf %add3A_76, %mul3A_78 : vector<8x128xf32>
    %mul3A_80 = vector.broadcast %convert_element_type3A_54 : f32 to vector<8x128xf32>
    %mul3A_81 = arith.mulf %mul3A_80, %convert_element_type3A_23 : vector<8x128xf32>
    %mul3A_82 = vector.broadcast %convert_element_type3A_60 : f32 to vector<8x128xf32>
    %mul3A_83 = arith.mulf %mul3A_82, %convert_element_type3A_31 : vector<8x128xf32>
    %add3A_84 = arith.addf %mul3A_81, %mul3A_83 : vector<8x128xf32>
    %add3A_85 = vector.broadcast %convert_element_type3A_66 : f32 to vector<8x128xf32>
    %add3A_86 = arith.addf %add3A_84, %add3A_85 : vector<8x128xf32>
    %add3A_87 = arith.constant 1.000000e+00 : f32
    %add3A_88 = vector.broadcast %add3A_87 : f32 to vector<8x128xf32>
    %add3A_89 = arith.addf %add3A_86, %add3A_88 : vector<8x128xf32>
    %mul3A_90 = arith.constant 1.915000e+02 : f32
    %mul3A_91 = vector.broadcast %mul3A_90 : f32 to vector<8x128xf32>
    %mul3A_92 = arith.mulf %add3A_89, %mul3A_91 : vector<8x128xf32>
    %floor3A_93 = math.floor %mul3A_79 : vector<8x128xf32>
    %convert_element_type3A_94 = arith.fptosi %floor3A_93 : vector<8x128xf32> to vector<8x128xi32>
    %floor3A_95 = math.floor %mul3A_92 : vector<8x128xf32>
    %convert_element_type3A_96 = arith.fptosi %floor3A_95 : vector<8x128xf32> to vector<8x128xi32>
    %jit3A = arith.constant 0 : i32
    %jit3A_97 = arith.constant 383 : i32
    %max3A = vector.broadcast %jit3A : i32 to vector<8x128xi32>
    %max3A_98 = arith.maxsi %max3A, %convert_element_type3A_94 : vector<8x128xi32>
    %min3A = vector.broadcast %jit3A_97 : i32 to vector<8x128xi32>
    %min3A_99 = arith.minsi %min3A, %max3A_98 : vector<8x128xi32>
    %jit3A_100 = arith.constant 0 : i32
    %jit3A_101 = arith.constant 383 : i32
    %max3A_102 = vector.broadcast %jit3A_100 : i32 to vector<8x128xi32>
    %max3A_103 = arith.maxsi %max3A_102, %convert_element_type3A_96 : vector<8x128xi32>
    %min3A_104 = vector.broadcast %jit3A_101 : i32 to vector<8x128xi32>
    %min3A_105 = arith.minsi %min3A_104, %max3A_103 : vector<8x128xi32>
    %mul3A_106 = arith.constant 147456 : i32
    %mul3A_107 = arith.muli %arg0, %mul3A_106 : i32
    %mul3A_108 = arith.constant 384 : i32
    %mul3A_109 = vector.broadcast %mul3A_108 : i32 to vector<8x128xi32>
    %mul3A_110 = arith.muli %min3A_105, %mul3A_109 : vector<8x128xi32>
    %add3A_111 = vector.broadcast %mul3A_107 : i32 to vector<8x128xi32>
    %add3A_112 = arith.addi %add3A_111, %mul3A_110 : vector<8x128xi32>
    %add3A_113 = arith.addi %add3A_112, %min3A_99 : vector<8x128xi32>
    %swap3A = arith.constant 0 : index
    %swap3A_114 = arith.constant 0 : index
    %swap3A_115 = vector.load %arg3[%swap3A, %swap3A_114] : memref<8x128xi32, #tpu.memory_space<vmem>>, vector<8x128xi32>
    tpu.vector_store %arg3[%swap3A, %swap3A_114], %add3A_113 {strides = array<i32>} : memref<8x128xi32, #tpu.memory_space<vmem>>, vector<8x128xi32>,
    return
  }
  func.func @transform_0(%arg0: i32, %arg1: i32) -> (i32, i32, i32) {
    %c0_i32 = arith.constant 0 : i32
    %c0_i32_0 = arith.constant 0 : i32
    %c0_i32_1 = arith.constant 0 : i32
    return %arg0, %c0_i32, %c0_i32_0 : i32, i32, i32
  }
  func.func @transform_1(%arg0: i32, %arg1: i32) -> (i32, i32) {
    %mul3A = arith.constant 49 : i32
    %mul3A_0 = arith.muli %arg0, %mul3A : i32
    %add3A = arith.addi %mul3A_0, %arg1 : i32
    %c0_i32 = arith.constant 0 : i32
    %c0_i32_1 = arith.constant 0 : i32
    return %add3A, %c0_i32 : i32, i32
  }
}

</mosaic_0001>

<sc_bundles>
// kernel: kernel.7.cloned.1.call-start
scs
__scs_entry_jumppad:
0x0: {  	(pc) =	sbr.rel $0x88, $3  }
0x1: {  	(tag) =	ssettag $0x0;
	lr =	simm.s32 $0x1  }
0x2: {  	[smem:$0x3F9F] =	sst lr;
	_ =	strace $0xD0000000  }
0x3: {  	_ = 	snop  }
0x4: {  	_ = 	snop  }
0x5: {  	_ = 	snop  }
0x6: {  	_ = 	snop  }
0x7: {  	_ = 	snop  }
__scs_overlays_trampoline_lowered:
0x8: {  	[smem:$0x3FAE] =	sst s0  }
0x9: {  	[smem:$0x3FAF] =	sst s1  }
0xa: {  	[smem:$0x3FB0] =	sst s2  }
0xb: {  	[smem:$0x3FB1] =	sst s3  }
0xc: {  	[smem:$0x3FB2] =	sst s4  }
0xd: {  	[smem:$0x3FB3] =	sst s5  }
0xe: {  	[smem:$0x3FB4] =	sst s6  }
0xf: {  	[smem:$0x3FB5] =	sst s7  }
0x10: {  	[smem:$0x3FB6] =	sst s8  }
0x11: {  	[smem:$0x3FB7] =	sst s9;
	s0 =	simm.s32 @!p0 $0x0  }
0x12: {  	s1 =	sld [smem:$0x3F9D];
	s0 =	simm.s32 @p0 $0x1  }
0x13: {  	[smem:$0x3FB8] =	sst s0;
	s0 =	simm.s32 @!p1 $0x0  }
0x14: {  	s2 =	sld [smem:$0x3F9C];
	s0 =	simm.s32 @p1 $0x1  }
0x15: {  	[smem:$0x3FB9] =	sst s0;
	s0 =	simm.s32 @!p2 $0x0  }
0x16: {  	s3 =	sld [smem:$0x3FDB];
	s0 =	simm.s32 @p2 $0x1  }
0x17: {  	s4 =	simm.s32 $0x1BF5;
	[smem:$0x3FBB] =	sst s0  }
0x18: {  	s0 =	sld [smem:$0x3F9E];
	_ =	swait.ge [sflag:s4], $0x0  }
0x19: {  	s7 =	sld [smem:$0x3F9F]  }
0x1a: {  	s8 =	sadd.s32 $0xFFFFE003, lr  }
0x1b: {  	s9 =	sadd.s32 $0xFFFFFEF7, lr;
	s5 =	simm.s32 $0xFFFFFFFF;
	p2 =	slt.u32 s8, $0xFFFFF086  }
0x1c: {  	p1 =	slt.u32 s9, $0xF7A;
	s5 =	simm.s32 @!p2 $0x0  }
0x1d: {  	s5 =	simm.s32 @p1 $0x1;
	p0 =	seq.s32 s7, s2  }
0x1e: {  	s7 =	smul.u32 @!p0 $0xF7A, s2;
	p2 =	seq.s32 @!p0 s5, $0x0  }
0x1f: {  	s9 =	smul.u32 $0xF7A, s1;
	s8 =	simm.s32 @!p0 $0x1BF5;
	p2 =	por !p2, p0  }
0x20: {  	[sflag:s8] =	ssyncset.s32 @!p0 $0xFFFFF086;
	s6 =	sadd.s32 @!p0 s3, s7;
	s7 =	simm.s32 @!p0 $0x108  }
0x21: {  	s3 =	sadd.s32 s3, s9;
	s6 =	sadd.s32 @!p0 $0x88, s6;
	s7 =	simm.s32 @p2 $0x1082  }
0x22: {  	[simem:s7], [sflag:s8] =	dma.local @!p0 [hbm:s6], $0xF7A  }
0x23: {  	s9 =	sor.u32 $0xD0000000, s2;
	s6 =	simm.s32 $0x108;
	_ =	swait.ge @!p0 [sflag:s8], $0x0  }
0x24: {  	s3 =	sadd.s32 $0x88, s3;
	s6 =	simm.s32 @!p1 $0x1082;
	[sflag:s4] =	ssyncset.s32 $0xFFFFF086  }
0x25: {  	[simem:s6], [sflag:s4] =	dma.local [hbm:s3], $0xF7A  }
0x26: {  	[smem:$0x3F9F] =	sst s1;
	(tag) =	ssettag s2;
	_ =	strace s9  }
0x27: {  	s1 =	sld [smem:$0x3FAF]  }
0x28: {  	s2 =	sld [smem:$0x3FB0]  }
0x29: {  	s4 =	sld [smem:$0x3FB2]  }
0x2a: {  	p0 =	seq.s32 s5, $0x0;
	s5 =	sld [smem:$0x3FB3]  }
0x2b: {  	s6 =	sld [smem:$0x3FB4]  }
0x2c: {  	s7 =	sld [smem:$0x3FB5]  }
0x2d: {  	s3 =	simm.s32 $0x108;
	s8 =	sld [smem:$0x3FB6]  }
0x2e: {  	s3 =	simm.s32 @!p0 $0x1082;
	s9 =	sld [smem:$0x3FB7]  }
0x2f: {  	lr =	sadd.s32 s0, s3;
	s0 =	sld [smem:$0x3FAE]  }
0x30: {  	s3 =	sld [smem:$0x3FB1]  }
0x31: {  	[smem:$0x3FBA] =	sst s10  }
0x32: {  	s10 =	sld [smem:$0x3FB8];
	_ =	sdelay $0x3  }
0x33: {  	p0 =	seq.s32 s10, $0x1;
	s10 =	sld [smem:$0x3FBA];
	_ =	sdelay $0x3  }
0x34: {  	[smem:$0x3FBA] =	sst s10  }
0x35: {  	s10 =	sld [smem:$0x3FB9];
	_ =	sdelay $0x3  }
0x36: {  	p1 =	seq.s32 s10, $0x1;
	s10 =	sld [smem:$0x3FBA];
	_ =	sdelay $0x3  }
0x37: {  	[smem:$0x3FBA] =	sst s10  }
0x38: {  	s10 =	sld [smem:$0x3FBB]  }
0x39: {  	_ = 	snop;
	(pc) =	sbr.ind lr, $3  }
0x3a: {  	_ = 	snop  }
0x3b: {  	_ = 	snop  }
0x3c: {  	p2 =	seq.s32 s10, $0x1;
	s10 =	sld [smem:$0x3FBA]  }
0x3d: {  	_ =	shalt  }
0x3e: {  	_ =	shalt  }
0x3f: {  	_ =	shalt  }
0x40: {  	_ =	shalt  }
0x41: {  	_ =	shalt  }
0x42: {  	_ =	shalt  }
0x43: {  	_ =	shalt  }
0x44: {  	_ =	shalt  }
0x45: {  	_ =	shalt  }
0x46: {  	_ =	shalt  }
0x47: {  	_ =	shalt  }
0x48: {  	_ =	shalt  }
0x49: {  	_ =	shalt  }
0x4a: {  	_ =	shalt  }
0x4b: {  	_ =	shalt  }
0x4c: {  	_ =	shalt  }
0x4d: {  	_ =	shalt  }
0x4e: {  	_ =	shalt  }
0x4f: {  	_ =	shalt  }
0x50: {  	_ =	shalt  }
0x51: {  	_ =	shalt  }
0x52: {  	_ =	shalt  }
0x53: {  	_ =	shalt  }
0x54: {  	_ =	shalt  }
0x55: {  	_ =	shalt  }
0x56: {  	_ =	shalt  }
0x57: {  	_ =	shalt  }
0x58: {  	_ =	shalt  }
0x59: {  	_ =	shalt  }
0x5a: {  	_ =	shalt  }
0x5b: {  	_ =	shalt  }
0x5c: {  	_ =	shalt  }
0x5d: {  	_ =	shalt  }
0x5e: {  	_ =	shalt  }
0x5f: {  	_ =	shalt  }
0x60: {  	_ =	shalt  }
0x61: {  	_ =	shalt  }
0x62: {  	_ =	shalt  }
0x63: {  	_ =	shalt  }
0x64: {  	_ =	shalt  }
0x65: {  	_ =	shalt  }
0x66: {  	_ =	shalt  }
0x67: {  	_ =	shalt  }
0x68: {  	_ =	shalt  }
0x69: {  	_ =	shalt  }
0x6a: {  	_ =	shalt  }
0x6b: {  	_ =	shalt  }
0x6c: {  	_ =	shalt  }
0x6d: {  	_ =	shalt  }
0x6e: {  	_ =	shalt  }
0x6f: {  	_ =	shalt  }
0x70: {  	_ =	shalt  }
0x71: {  	_ =	shalt  }
0x72: {  	_ =	shalt  }
0x73: {  	_ =	shalt  }
0x74: {  	_ =	shalt  }
0x75: {  	_ =	shalt  }
0x76: {  	_ =	shalt  }
0x77: {  	_ =	shalt  }
0x78: {  	_ =	shalt  }
0x79: {  	_ =	shalt  }
0x7a: {  	_ =	shalt  }
0x7b: {  	_ =	shalt  }
0x7c: {  	_ =	shalt  }
0x7d: {  	_ =	shalt  }
0x7e: {  	_ =	shalt  }
0x7f: {  	_ =	shalt  }
0x80: {  	_ =	shalt  }
0x81: {  	_ =	shalt  }
0x82: {  	_ =	shalt  }
0x83: {  	_ =	shalt  }
0x84: {  	_ =	shalt  }
0x85: {  	_ =	shalt  }
0x86: {  	_ =	shalt  }
0x87: {  	_ =	shalt  }
.Lfunc_end0:
.L_simem_size_0:
called_computation_lowered:
.L_overlay_start_0:
0x88: {  	s2 =	sld [smem:$0x3FD9]  }
0x89: {  	s3 =	sld [smem:$0x3FFE];
	_ =	sdelay $0x1  }
0x8a: {  	s1 =	srdreg.scid  }
0x8b: {  	s0 =	sand.u32 $0x1, s1  }
0x8c: {  	s17 =	sshll.u32 s0, $0xA;
	s2 =	sadd.s32 s3, s2  }
0x8d: {  	s2 =	sadd.s32 s2, s17  }
0x8e: {  	[smem:$0x3FC6] =	sst s2  }
0x8f: {  	_ = 	snop  }
0x90: {  	s2 =	sld [smem:$0x3FD0];
	(tm) =	ssettm $0x1  }
0x91: {  	s18 =	sld [smem:$0x3FFB];
	_ =	sdelay $0x3  }
0x92: {  	_ =	strace s18  }
0x93: {  	s3 =	sld [smem:$0x3FFC];
	_ =	sdelay $0x3  }
0x94: {  	_ =	strace s3  }
0x95: {  	s3 =	sld [smem:$0x3FFD];
	_ =	sdelay $0x3  }
0x96: {  	_ =	strace s3  }
0x97: {  	_ =	strace $0x8FFFFFFF  }
0x98: {  	s19 =	sld [smem:$0x3FDB];
	_ =	sdelay $0x1  }
0x99: {  	s4 =	simm.s32 $_scs_section_size  }
0x9a: {  	s5 =	simm.s32 $_size__tile_overlayer_lowered;
	s6 =	simm.s32 $_tile_overlayer_lowered  }
0x9b: {  	s22 =	simm.s32 $0x1BFF;
	s21 =	sshll.u32 s6, $0x1;
	s3 =	sadd.s32 s4, s19  }
0x9c: {  	s7 =	simm.s32 $0x0;
	s20 =	sshll.u32 s5, $0x1;
	s5 =	sadd.s32 s21, s3  }
0x9d: {  	[timem:s7], [sflag:s22] =	dma.local [hbm:s5], s20  }
0x9e: {  	_ =	swait.ge [sflag:s22], s20  }
0x9f: {  	s4 =	ssub.s32 $0x0, s20;
	[sflag:s22] =	ssyncset.done $0x0  }
0xa0: {  	[sflag:s22] =	ssyncadd.s32 s4;
	_ =	sdelay $0x1  }
0xa1: {  	s23 =	simm.s32 $0x1B8B  }
0xa2: {  	_ =	swait.ge [sflag:s23], $0x1  }
0xa3: {  	[sflag:s23] =	ssyncset.done $0x0  }
0xa4: {  	s25 =	simm.s32 $0x1B8E;
	s24 =	sld [smem:$0x3FFE];
	[sflag:s23] =	ssyncadd.s32 $0xFFFFFFFF  }
0xa5: {  	s26 =	simm.s32 $execute0_lowered;
	[smem:$0x3FD2] =	sst s25  }
0xa6: {  	s5 =	sshll.u32 s26, $0x1;
	_ =	strace $0x80000046;
	[dreg:$0x1] =	wrdreg $0xFFFFFFFF  }
0xa7: {  	s28 =	simm.s32 $_size_execute0_lowered;
	s3 =	sadd.s32 s3, s5;
	[dreg:$0x0] =	wrdreg $0x0  }
0xa8: {  	s5 =	sshll.u32 s28, $0x1;
	[dreg:$0x2] =	wrdreg s3  }
0xa9: {  	[dreg:$0x3] =	wrdreg s5  }
0xaa: {  	[dreg:$0x4] =	wrdreg $0xC0  }
0xab: {  	_ =	task [dreg:s7], $0x5FFFF  }
0xac: {  	[dreg:$0x1] =	wrdreg $0xFFFFFFFF  }
0xad: {  	[dreg:$0x0] =	wrdreg $0x60  }
0xae: {  	[dreg:$0x2] =	wrdreg s24  }
0xaf: {  	[dreg:$0x3] =	wrdreg s2  }
0xb0: {  	[dreg:$0x4] =	wrdreg $0x9  }
0xb1: {  	_ =	task.clear_ibuf [dreg:s7], $0x5FFFF;
	_ =	strace $0x90000046  }
0xb2: {  	s29 =	simm.s32 $0x9;
	_ =	strace $0x80000048  }
0xb3: {  	_ =	swait.ge [sflag:s29], $0x1  }
0xb4: {  	[sflag:s29] =	ssyncadd.s32 $0xFFFFFFFF  }
0xb5: {  	_ =	strace $0x90000048  }
0xb6: {  	_ =	sfence  }
0xb7: {  	s30 =	sld [smem:$0x0];
	_ =	sdelay $0x2  }
0xb8: {  	s31 =	sshll.u32 s1, $0xD;
	s1 =	sshrl.u32 s1, $0x2  }
0xb9: {  	s3 =	sand.u32 $0x4000, s31;
	s1 =	sadd.s32 s1, s30  }
0xba: {  	s0 =	sor.u32 s3, s0;
	s1 =	sshll.u32 s1, $0x11  }
0xbb: {  	s0 =	sor.u32 s1, s0  }
0xbc: {  	s0 =	sadd.s32 $0x8F2B, s0  }
0xbd: {  	[sflag:s0] =	ssyncadd.remote.s32 $0x1  }
0xbe: {  	_ =	sfence.sel $0xFFFF  }
0xbf: {  	[dreg:$0x0] =	wrdreg $0xFFFFFFFF;
	(pc) =	sbr.abs _section_cstart, $3  }
0xc0: {  	[dreg:$0x1] =	wrdreg $0xFFFFFFFF  }
0xc1: {  	_ =	task.clear_ibuf [dreg:s7], $0x2FFFF;
	_ =	strace $0x9FFFFFFF  }
0xc2: {  	(tm) =	ssettm $0x7FFFFFFF  }
0xc3: {  	_ =	shalt  }
tec
execute0_lowered:
.L_overlay_start_1:
0x0: {  	(tag) =	ssettag $0x1  }
0x1: {  	s0 =	srdreg.scid;
	s1 =	rddreg [dreg:$0x0]  }
0x2: {  	s2 =	rddreg [dreg:$0x1];
	s5 =	stileid.u32  }
0x3: {  	s3 =	simm.s32 $0x0;
	s17 =	simm.s32 $0x1;
	s20 =	simm.s32 $0x2  }
0x4: {  	s21 =	simm.s32 $0x18100;
	s22 =	simm.s32 $0x1D00;
	s23 =	simm.s32 $0x3  }
0x5: {  	s24 =	simm.s32 $0x18900;
	s25 =	simm.s32 $0x4;
	s0 =	sand.u32 $0x1, s0  }
0x6: {  	s28 =	simm.s32 $0x1C100;
	s29 =	simm.s32 $0x5;
	s4 =	sshll.u32 s0, $0x4  }
0x7: {  	[smem:$0x7FF] =	sst s3;
	s0 =	ssub.s32 $0x2, s0;
	s7 =	sor.u32 s5, s4  }
0x8: {  	s6 =	sadd.s32 $0x600, s1;
	s9 =	sshrl.u32 s0, $0x1;
	s4 =	smul.u32 $0x1880, s7  }
0x9: {  	s11 =	sadd.s32 $0x6A00, s1;
	s7 =	smul.u32 $0x18800, s7;
	s0 =	ssub.s32 s0, s9  }
0xa: {  	_ =	strace $0x80000047;
	s5 =	sadd.s32 $0x6800, s1;
	s0 =	smax.u32 s0, $0x1  }
0xb: {  	s8 =	sshrl.u32 s4, $0x3;
	s30 =	sadd.s32 s2, s7;
	[dreg:$0x7] =	wrdreg s0  }
0xc: {  	s13 =	sor.u32 $0x38, s4;
	s31 =	sadd.s32 $0xA8, s4;
	[dreg:$0x5] =	wrdreg s30  }
0xd: {  	v2 =	vlaneseq.u32;
	s10 =	sadd.s32 s6, s8;
	s8 =	sadd.s32 $0x3606800, s1;
	[dreg:$0x6] =	wrdreg s31  }
0xe: {  	vm0 =	vmmov $0xffff;
	v1 =	vshrl.u32 v2, $0x3;
	[dreg:$0x3] =	wrdreg s10;
	s26 =	sadd.s32 $0x7, s10;
	s10 =	sadd.s32 $0x6900, s1  }
0xf: {  	v0 =	vand.u32 $0x7, v2;
	v2 =	vor.u32 $0x8, v2;
	v1 =	vmul.u32 $0x8, v1;
	s1 =	simm.s32 $0x0;
	[dreg:$0x4] =	wrdreg s26;
	s26 =	simm.s32 $0x6  }
.LBB2_1:
0x10: {  	[dreg:$0x8] =	wrdreg s1  }
0x11: {  	s0 =	rddreg [dreg:$0x3]  }
0x12: {  	[tilespmem:s3], [sflag:$0x1] =	stream.linear.gather [hbm4b:s0+s3], $0x38, $0x38;
	[tilespmem:$0x1F900] =	vst v63  }
0x13: {  	s15 =	rddreg [dreg:$0x4];
	s16 =	simm.s32 $0x80  }
0x14: {  	[tilespmem:s16], [sflag:$0x2] =	stream.linear.gather [hbm4b:s15+s3], $0x38, $0x38;
	[tilespmem:$0x1F900] =	vst v63  }
0x15: {  	_ =	swait.ge [sflag:s17], $0x38  }
0x16: {  	[sflag:s17] =	ssyncset.done $0x0  }
0x17: {  	[sflag:s17] =	ssyncadd.s32 $0xFFFFFFC8  }
0x18: {  	v3 =	vld [tilespmem:$0x0];
	_ =	sdelay $0x4  }
0x19: {  	v4 =	vshrl.u32 v3, $0x3  }
0x1a: {  	v4 =	vmul.u32 $0x30, v4  }
0x1b: {  	v3 =	vand.u32 $0x7, v3  }
0x1c: {  	v3 =	vor.u32 v3, v4  }
0x1d: {  	v4 =	vperm.xlane v3, v0;
	_ =	sdelay $0x1  }
0x1e: {  	v4 =	vadd.s32 v1, v4;
	_ =	sdelay $0x3  }
0x1f: {  	s18 =	simm.s32 $0x3900;
	v3 =	vperm.xlane v3, v2  }
0x20: {  	[tilespmem:s18], [sflag:$0x3] =	stream.indirect_vreg.gather [hbm4b:s5+s3], $0x80, v4, vm0, $0xb8;
	[tilespmem:$0x1F900] =	vst v63  }
0x21: {  	s19 =	simm.s32 $0x4100;
	v3 =	vadd.s32 v1, v3  }
0x22: {  	[tilespmem:s19], [sflag:$0x3] =	stream.indirect_vreg.gather [hbm4b:s10+s3], $0x80, v4, vm0, $0xb8;
	[tilespmem:$0x1F900] =	vst v63  }
0x23: {  	s31 =	simm.s32 $0x4900  }
0x24: {  	[tilespmem:s31], [sflag:$0x3] =	stream.indirect_vreg.gather [hbm4b:s11+s3], $0x80, v4, vm0, $0xb8;
	[tilespmem:$0x1F900] =	vst v63  }
0x25: {  	s1 =	simm.s32 $0x5100  }
0x26: {  	[tilespmem:s1], [sflag:$0x3] =	stream.indirect_vreg.gather [hbm4b:s5+s3], $0x80, v3, vm0, $0xb8;
	[tilespmem:$0x1F900] =	vst v63  }
0x27: {  	s7 =	simm.s32 $0x5900  }
0x28: {  	[tilespmem:s7], [sflag:$0x3] =	stream.indirect_vreg.gather [hbm4b:s10+s3], $0x80, v3, vm0, $0xb8;
	[tilespmem:$0x1F900] =	vst v63  }
0x29: {  	s9 =	simm.s32 $0x6100  }
0x2a: {  	[tilespmem:s9], [sflag:$0x3] =	stream.indirect_vreg.gather [hbm4b:s11+s3], $0x80, v3, vm0, $0xb8;
	[tilespmem:$0x1F900] =	vst v63  }
0x2b: {  	v3 =	vld [tilespmem:$0x10];
	_ =	sdelay $0x4  }
0x2c: {  	v61 =	vshrl.u32 v3, $0x3  }
0x2d: {  	v4 =	vmul.u32 $0x30, v61  }
0x2e: {  	v3 =	vand.u32 $0x7, v3  }
0x2f: {  	v3 =	vor.u32 v3, v4  }
0x30: {  	v4 =	vperm.xlane v3, v0;
	_ =	sdelay $0x1  }
0x31: {  	v4 =	vadd.s32 v1, v4;
	_ =	sdelay $0x3  }
0x32: {  	s12 =	simm.s32 $0x6900;
	v3 =	vperm.xlane v3, v2  }
0x33: {  	[tilespmem:s12], [sflag:$0x3] =	stream.indirect_vreg.gather [hbm4b:s5+s3], $0x80, v4, vm0, $0xb8;
	[tilespmem:$0x1F900] =	vst v63  }
0x34: {  	s14 =	simm.s32 $0x7100;
	v3 =	vadd.s32 v1, v3  }
0x35: {  	[tilespmem:s14], [sflag:$0x3] =	stream.indirect_vreg.gather [hbm4b:s10+s3], $0x80, v4, vm0, $0xb8;
	[tilespmem:$0x1F900] =	vst v63  }
0x36: {  	s15 =	simm.s32 $0x7900  }
0x37: {  	[tilespmem:s15], [sflag:$0x3] =	stream.indirect_vreg.gather [hbm4b:s11+s3], $0x80, v4, vm0, $0xb8;
	[tilespmem:$0x1F900] =	vst v63  }
0x38: {  	s16 =	simm.s32 $0x8100  }
0x39: {  	[tilespmem:s16], [sflag:$0x3] =	stream.indirect_vreg.gather [hbm4b:s5+s3], $0x80, v3, vm0, $0xb8;
	[tilespmem:$0x1F900] =	vst v63  }
0x3a: {  	s18 =	simm.s32 $0x8900  }
0x3b: {  	[tilespmem:s18], [sflag:$0x3] =	stream.indirect_vreg.gather [hbm4b:s10+s3], $0x80, v3, vm0, $0xb8;
	[tilespmem:$0x1F900] =	vst v63  }
0x3c: {  	s19 =	simm.s32 $0x9100  }
0x3d: {  	[tilespmem:s19], [sflag:$0x3] =	stream.indirect_vreg.gather [hbm4b:s11+s3], $0x80, v3, vm0, $0xb8;
	[tilespmem:$0x1F900] =	vst v63  }
0x3e: {  	v3 =	vld [tilespmem:$0x20];
	_ =	sdelay $0x4  }
0x3f: {  	v62 =	vshrl.u32 v3, $0x3  }
0x40: {  	v4 =	vmul.u32 $0x30, v62  }
0x41: {  	v3 =	vand.u32 $0x7, v3  }
0x42: {  	v3 =	vor.u32 v3, v4  }
0x43: {  	v4 =	vperm.xlane v3, v0;
	_ =	sdelay $0x1  }
0x44: {  	v4 =	vadd.s32 v1, v4;
	_ =	sdelay $0x3  }
0x45: {  	s31 =	simm.s32 $0x9900;
	v3 =	vperm.xlane v3, v2  }
0x46: {  	[tilespmem:s31], [sflag:$0x3] =	stream.indirect_vreg.gather [hbm4b:s5+s3], $0x80, v4, vm0, $0xb8;
	[tilespmem:$0x1F900] =	vst v63  }
0x47: {  	s1 =	simm.s32 $0xA100;
	v3 =	vadd.s32 v1, v3  }
0x48: {  	[tilespmem:s1], [sflag:$0x3] =	stream.indirect_vreg.gather [hbm4b:s10+s3], $0x80, v4, vm0, $0xb8;
	[tilespmem:$0x1F900] =	vst v63  }
0x49: {  	s7 =	simm.s32 $0xA900  }
0x4a: {  	[tilespmem:s7], [sflag:$0x3] =	stream.indirect_vreg.gather [hbm4b:s11+s3], $0x80, v4, vm0, $0xb8;
	[tilespmem:$0x1F900] =	vst v63  }
0x4b: {  	s9 =	simm.s32 $0xB100  }
0x4c: {  	[tilespmem:s9], [sflag:$0x3] =	stream.indirect_vreg.gather [hbm4b:s5+s3], $0x80, v3, vm0, $0xb8;
	[tilespmem:$0x1F900] =	vst v63  }
0x4d: {  	s12 =	simm.s32 $0xB900  }
0x4e: {  	[tilespmem:s12], [sflag:$0x3] =	stream.indirect_vreg.gather [hbm4b:s10+s3], $0x80, v3, vm0, $0xb8;
	[tilespmem:$0x1F900] =	vst v63  }
0x4f: {  	s14 =	simm.s32 $0xC100  }
0x50: {  	[tilespmem:s14], [sflag:$0x3] =	stream.indirect_vreg.gather [hbm4b:s11+s3], $0x80, v3, vm0, $0xb8;
	[tilespmem:$0x1F900] =	vst v63  }
0x51: {  	v3 =	vld.msk [tilespmem:$0x30], $0xff;
	_ =	sdelay $0x4  }
0x52: {  	v63 =	vshrl.u32 v3, $0x3  }
0x53: {  	v4 =	vmul.u32 $0x30, v63  }
0x54: {  	v3 =	vand.u32 $0x7, v3  }
0x55: {  	v3 =	vor.u32 v3, v4  }
0x56: {  	v3 =	vperm.xlane v3, v0;
	_ =	sdelay $0x1  }
0x57: {  	v3 =	vadd.s32 v1, v3;
	_ =	sdelay $0x3  }
0x58: {  	s15 =	simm.s32 $0xC900  }
0x59: {  	[tilespmem:s15], [sflag:$0x3] =	stream.indirect_vreg.gather [hbm4b:s5+s3], $0x80, v3, vm0, $0xb8;
	[tilespmem:$0x1F900] =	vst v63  }
0x5a: {  	s16 =	simm.s32 $0xD100  }
0x5b: {  	[tilespmem:s16], [sflag:$0x3] =	stream.indirect_vreg.gather [hbm4b:s10+s3], $0x80, v3, vm0, $0xb8;
	[tilespmem:$0x1F900] =	vst v63  }
0x5c: {  	s18 =	simm.s32 $0xD900  }
0x5d: {  	[tilespmem:s18], [sflag:$0x3] =	stream.indirect_vreg.gather [hbm4b:s11+s3], $0x80, v3, vm0, $0xb8;
	[tilespmem:$0x1F900] =	vst v63  }
0x5e: {  	s30 =	simm.s32 $0x0;
	s19 =	rddreg [dreg:$0x5];
	s31 =	simm.s32 $0x100  }
0x5f: {  	[tilespmem:s31], [sflag:$0x3] =	stream.linear.gather [hbm4b:s19+s3], $0x1C00, $0x38;
	[tilespmem:$0x1F900] =	vst v63  }
.LBB2_2:
0x60: {  	_ =	swait.ge [sflag:s20], $0x38  }
0x61: {  	[sflag:s20] =	ssyncset.done $0x0  }
0x62: {  	[sflag:s20] =	ssyncadd.s32 $0xFFFFFFC8  }
0x63: {  	v3 =	vld [tilespmem:$0x80];
	_ =	sdelay $0x4  }
0x64: {  	v4 =	vshrl.u32 v3, $0x3  }
0x65: {  	v4 =	vmul.u32 $0x30, v4  }
0x66: {  	v3 =	vand.u32 $0x7, v3  }
0x67: {  	v3 =	vor.u32 v3, v4  }
0x68: {  	v4 =	vperm.xlane v3, v0;
	_ =	sdelay $0x1  }
0x69: {  	v4 =	vadd.s32 v1, v4;
	_ =	sdelay $0x3  }
0x6a: {  	s0 =	simm.s32 $0xE100;
	v3 =	vperm.xlane v3, v2  }
0x6b: {  	[tilespmem:s0], [sflag:$0x4] =	stream.indirect_vreg.gather [hbm4b:s5+s3], $0x80, v4, vm0, $0xb8;
	[tilespmem:$0x1F900] =	vst v63  }
0x6c: {  	s19 =	simm.s32 $0xE900;
	v3 =	vadd.s32 v1, v3  }
0x6d: {  	[tilespmem:s19], [sflag:$0x4] =	stream.indirect_vreg.gather [hbm4b:s10+s3], $0x80, v4, vm0, $0xb8;
	[tilespmem:$0x1F900] =	vst v63  }
0x6e: {  	s1 =	simm.s32 $0xF100  }
0x6f: {  	[tilespmem:s1], [sflag:$0x4] =	stream.indirect_vreg.gather [hbm4b:s11+s3], $0x80, v4, vm0, $0xb8;
	[tilespmem:$0x1F900] =	vst v63  }
0x70: {  	s7 =	simm.s32 $0xF900  }
0x71: {  	[tilespmem:s7], [sflag:$0x4] =	stream.indirect_vreg.gather [hbm4b:s5+s3], $0x80, v3, vm0, $0xb8;
	[tilespmem:$0x1F900] =	vst v63  }
0x72: {  	s9 =	simm.s32 $0x10100  }
0x73: {  	[tilespmem:s9], [sflag:$0x4] =	stream.indirect_vreg.gather [hbm4b:s10+s3], $0x80, v3, vm0, $0xb8;
	[tilespmem:$0x1F900] =	vst v63  }
0x74: {  	s12 =	simm.s32 $0x10900  }
0x75: {  	[tilespmem:s12], [sflag:$0x4] =	stream.indirect_vreg.gather [hbm4b:s11+s3], $0x80, v3, vm0, $0xb8;
	[tilespmem:$0x1F900] =	vst v63  }
0x76: {  	v3 =	vld [tilespmem:$0x90];
	_ =	sdelay $0x4  }
0x77: {  	v61 =	vshrl.u32 v3, $0x3  }
0x78: {  	v4 =	vmul.u32 $0x30, v61  }
0x79: {  	v3 =	vand.u32 $0x7, v3  }
0x7a: {  	v3 =	vor.u32 v3, v4  }
0x7b: {  	v4 =	vperm.xlane v3, v0;
	_ =	sdelay $0x1  }
0x7c: {  	v4 =	vadd.s32 v1, v4;
	_ =	sdelay $0x3  }
0x7d: {  	s14 =	simm.s32 $0x11100;
	v3 =	vperm.xlane v3, v2  }
0x7e: {  	[tilespmem:s14], [sflag:$0x4] =	stream.indirect_vreg.gather [hbm4b:s5+s3], $0x80, v4, vm0, $0xb8;
	[tilespmem:$0x1F900] =	vst v63  }
0x7f: {  	s15 =	simm.s32 $0x11900;
	v3 =	vadd.s32 v1, v3  }
0x80: {  	[tilespmem:s15], [sflag:$0x4] =	stream.indirect_vreg.gather [hbm4b:s10+s3], $0x80, v4, vm0, $0xb8;
	[tilespmem:$0x1F900] =	vst v63  }
0x81: {  	s16 =	simm.s32 $0x12100  }
0x82: {  	[tilespmem:s16], [sflag:$0x4] =	stream.indirect_vreg.gather [hbm4b:s11+s3], $0x80, v4, vm0, $0xb8;
	[tilespmem:$0x1F900] =	vst v63  }
0x83: {  	s18 =	simm.s32 $0x12900  }
0x84: {  	[tilespmem:s18], [sflag:$0x4] =	stream.indirect_vreg.gather [hbm4b:s5+s3], $0x80, v3, vm0, $0xb8;
	[tilespmem:$0x1F900] =	vst v63  }
0x85: {  	s19 =	simm.s32 $0x13100  }
0x86: {  	[tilespmem:s19], [sflag:$0x4] =	stream.indirect_vreg.gather [hbm4b:s10+s3], $0x80, v3, vm0, $0xb8;
	[tilespmem:$0x1F900] =	vst v63  }
0x87: {  	s1 =	simm.s32 $0x13900  }
0x88: {  	[tilespmem:s1], [sflag:$0x4] =	stream.indirect_vreg.gather [hbm4b:s11+s3], $0x80, v3, vm0, $0xb8;
	[tilespmem:$0x1F900] =	vst v63  }
0x89: {  	v3 =	vld [tilespmem:$0xA0];
	_ =	sdelay $0x4  }
0x8a: {  	v62 =	vshrl.u32 v3, $0x3  }
0x8b: {  	v4 =	vmul.u32 $0x30, v62  }
0x8c: {  	v3 =	vand.u32 $0x7, v3  }
0x8d: {  	v3 =	vor.u32 v3, v4  }
0x8e: {  	v4 =	vperm.xlane v3, v0;
	_ =	sdelay $0x1  }
0x8f: {  	v4 =	vadd.s32 v1, v4;
	_ =	sdelay $0x3  }
0x90: {  	s7 =	simm.s32 $0x14100;
	v3 =	vperm.xlane v3, v2  }
0x91: {  	[tilespmem:s7], [sflag:$0x4] =	stream.indirect_vreg.gather [hbm4b:s5+s3], $0x80, v4, vm0, $0xb8;
	[tilespmem:$0x1F900] =	vst v63  }
0x92: {  	s9 =	simm.s32 $0x14900;
	v3 =	vadd.s32 v1, v3  }
0x93: {  	[tilespmem:s9], [sflag:$0x4] =	stream.indirect_vreg.gather [hbm4b:s10+s3], $0x80, v4, vm0, $0xb8;
	[tilespmem:$0x1F900] =	vst v63  }
0x94: {  	s12 =	simm.s32 $0x15100  }
0x95: {  	[tilespmem:s12], [sflag:$0x4] =	stream.indirect_vreg.gather [hbm4b:s11+s3], $0x80, v4, vm0, $0xb8;
	[tilespmem:$0x1F900] =	vst v63  }
0x96: {  	s14 =	simm.s32 $0x15900  }
0x97: {  	[tilespmem:s14], [sflag:$0x4] =	stream.indirect_vreg.gather [hbm4b:s5+s3], $0x80, v3, vm0, $0xb8;
	[tilespmem:$0x1F900] =	vst v63  }
0x98: {  	s15 =	simm.s32 $0x16100  }
0x99: {  	[tilespmem:s15], [sflag:$0x4] =	stream.indirect_vreg.gather [hbm4b:s10+s3], $0x80, v3, vm0, $0xb8;
	[tilespmem:$0x1F900] =	vst v63  }
0x9a: {  	s16 =	simm.s32 $0x16900  }
0x9b: {  	[tilespmem:s16], [sflag:$0x4] =	stream.indirect_vreg.gather [hbm4b:s11+s3], $0x80, v3, vm0, $0xb8;
	[tilespmem:$0x1F900] =	vst v63  }
0x9c: {  	v3 =	vld.msk [tilespmem:$0xB0], $0xff;
	_ =	sdelay $0x4  }
0x9d: {  	v63 =	vshrl.u32 v3, $0x3  }
0x9e: {  	v4 =	vmul.u32 $0x30, v63  }
0x9f: {  	v3 =	vand.u32 $0x7, v3  }
0xa0: {  	v3 =	vor.u32 v3, v4  }
0xa1: {  	v3 =	vperm.xlane v3, v0;
	_ =	sdelay $0x1  }
0xa2: {  	v3 =	vadd.s32 v1, v3;
	_ =	sdelay $0x3  }
0xa3: {  	s0 =	smul.u32 $0x70, s30;
	s18 =	simm.s32 $0x17100  }
0xa4: {  	[tilespmem:s18], [sflag:$0x4] =	stream.indirect_vreg.gather [hbm4b:s5+s3], $0x80, v3, vm0, $0xb8;
	[tilespmem:$0x1F900] =	vst v63  }
0xa5: {  	s31 =	sadd.s32 s0, s13;
	s19 =	simm.s32 $0x17900  }
0xa6: {  	[tilespmem:s19], [sflag:$0x4] =	stream.indirect_vreg.gather [hbm4b:s10+s3], $0x80, v3, vm0, $0xb8;
	[tilespmem:$0x1F900] =	vst v63  }
0xa7: {  	s1 =	sshll.u32 s31, $0x4  }
0xa8: {  	[tilespmem:s21], [sflag:$0x4] =	stream.indirect_vreg.gather [hbm4b:s11+s3], $0x80, v3, vm0, $0xb8;
	[tilespmem:$0x1F900] =	vst v63  }
0xa9: {  	p1 =	seq.s32 s30, $0x37;
	s1 =	sadd.s32 s2, s1;
	s7 =	sshll.u32 s30, $0x1  }
0xaa: {  	[tilespmem:s22], [sflag:$0x4] =	stream.linear.gather [hbm4b:s1+s3], $0x1C00, $0x38;
	[tilespmem:$0x1F900] =	vst v63  }
0xab: {  	p0 =	seq.s32 @!p1 s30, $0x0;
	s1 =	sadd.s32 $0x2, s7;
	_ =	swait.ge [sflag:s23], $0xA800  }
0xac: {  	p0 =	por p1, !p0;
	s7 =	smul.u32 @!p1 $0x38, s1;
	[sflag:s23] =	ssyncset.done $0x0  }
.Ltmp0:
0xad: {  	[sflag:s23] =	ssyncadd.s32 $0xFFFF5800;
	(pc) =	sbr.rel @!p0 .LBB2_3-.Ltmp0, $4  }
0xae: {  	s7 =	sadd.s32 @!p1 s4, s7;
	_ =	swait.ge [sflag:s23], $0x1C00  }
0xaf: {  	s7 =	sshrl.u32 @!p1 s7, $0x3;
	[sflag:s23] =	ssyncset.done $0x0  }
0xb0: {  	s9 =	simm.s32 @!p1 $0x0;
	s7 =	sadd.s32 @!p1 s6, s7;
	[sflag:s23] =	ssyncadd.s32 $0xFFFFE400  }
0xb1: {  	[tilespmem:s9], [sflag:$0x1] =	stream.linear.gather @!p1 [hbm4b:s7+s9], $0x38, $0x38;
	[tilespmem:$0x1F900] =	vst v63  }
.Ltmp1:
0xb2: {  	(pc) =	sbr.rel .LBB2_5-.Ltmp1, $4  }
0xb3: {  	_ = 	snop  }
0xb4: {  	_ =	swait.ge [sflag:s29], $0x3800  }
0xb5: {  	[sflag:s29] =	ssyncset.done $0x0  }
0xb6: {  	p0 =	por $0x0, $0x0;
	[sflag:s29] =	ssyncadd.s32 $0xFFFFC800  }
.LBB2_3:
0xb7: {  	p0 =	por @!p1 $0x1, $0x1  }
.LBB2_5:
0xb8: {  	s7 =	simm.s32 $0x0  }
0xb9: {  	s7 =	smul.u32 $0x6000, s7  }
0xba: {  	s9 =	simm.s32 $0x0;
	s12 =	simm.s32 $0x120  }
0xbb: {  	s16 =	sand.u32 $0x380, s9;
	v3 =	vld [tilespmem:s12+$0xFFFFFFF0];
	s7 =	sshra.s32 s7, $0x2  }
0xbc: {  	v5 =	vld [tilespmem:s12+$0xFFFFFFE0];
	s15 =	sor.u32 s16, s7  }
0xbd: {  	v7 =	vld [tilespmem:s15+$0x3D40]  }
0xbe: {  	v8 =	vld [tilespmem:s15+$0x3900]  }
0xbf: {  	v4 =	vld [tilespmem:s12+$0x0]  }
0xc0: {  	v9 =	vld [tilespmem:s15+$0x4500]  }
0xc1: {  	v6 =	vld [tilespmem:s12+$0x10]  }
0xc2: {  	v10 =	vld [tilespmem:s15+$0x4940]  }
0xc3: {  	v7 =	vmul.f32 v7, v3;
	v8 =	vmul.f32 v8, v5;
	_ =	sdelay $0x1  }
0xc4: {  	v9 =	vmul.f32 v9, v4;
	v7 =	vadd.f32 v7, v8;
	_ =	sdelay $0x1  }
0xc5: {  	v8 =	vmul.f32 v10, v6;
	v7 =	vadd.f32 v9, v7  }
0xc6: {  	s19 =	simm.s32 $0x0  }
0xc7: {  	s7 =	sand.u32 $0x3FFFF800, s19;
	v7 =	vadd.f32 v8, v7  }
0xc8: {  	s7 =	sor.u32 s16, s7  }
0xc9: {  	[tilespmem:s7+$0x18900] =	vst v7  }
0xca: {  	v7 =	vld [tilespmem:s15+$0x3910]  }
0xcb: {  	v8 =	vld [tilespmem:s15+$0x3D50];
	_ =	sdelay $0x1  }
0xcc: {  	v9 =	vld [tilespmem:s15+$0x4510];
	_ =	sdelay $0x1  }
0xcd: {  	v10 =	vld [tilespmem:s15+$0x4950]  }
0xce: {  	v7 =	vmul.f32 v7, v5;
	v8 =	vmul.f32 v8, v3;
	_ =	sdelay $0x1  }
0xcf: {  	v9 =	vmul.f32 v9, v4;
	v7 =	vadd.f32 v8, v7;
	_ =	sdelay $0x1  }
0xd0: {  	v8 =	vmul.f32 v10, v6;
	v7 =	vadd.f32 v9, v7;
	_ =	sdelay $0x1  }
0xd1: {  	v7 =	vadd.f32 v8, v7  }
0xd2: {  	s7 =	sadd.s32 $0x18900, s7  }
0xd3: {  	[tilespmem:s7+$0x10] =	vst v7  }
0xd4: {  	v7 =	vld [tilespmem:s15+$0x3920]  }
0xd5: {  	v8 =	vld [tilespmem:s15+$0x3D60];
	_ =	sdelay $0x1  }
0xd6: {  	v9 =	vld [tilespmem:s15+$0x4520];
	_ =	sdelay $0x1  }
0xd7: {  	v10 =	vld [tilespmem:s15+$0x4960]  }
0xd8: {  	v7 =	vmul.f32 v7, v5;
	v8 =	vmul.f32 v8, v3;
	_ =	sdelay $0x1  }
0xd9: {  	v7 =	vadd.f32 v8, v7;
	v8 =	vmul.f32 v9, v4;
	_ =	sdelay $0x1  }
0xda: {  	v9 =	vmul.f32 v10, v6;
	v7 =	vadd.f32 v8, v7;
	_ =	sdelay $0x1  }
0xdb: {  	v7 =	vadd.f32 v9, v7;
	_ =	sdelay $0x1  }
0xdc: {  	[tilespmem:s7+$0x20] =	vst v7  }
0xdd: {  	v7 =	vld [tilespmem:s15+$0x3930]  }
0xde: {  	v8 =	vld [tilespmem:s15+$0x3D70];
	_ =	sdelay $0x1  }
0xdf: {  	v9 =	vld [tilespmem:s15+$0x4530];
	_ =	sdelay $0x1  }
0xe0: {  	v10 =	vld [tilespmem:s15+$0x4970]  }
0xe1: {  	v7 =	vmul.f32 v7, v5;
	v8 =	vmul.f32 v8, v3;
	_ =	sdelay $0x1  }
0xe2: {  	v9 =	vmul.f32 v9, v4;
	v7 =	vadd.f32 v8, v7;
	_ =	sdelay $0x1  }
0xe3: {  	v8 =	vmul.f32 v10, v6;
	v7 =	vadd.f32 v9, v7;
	_ =	sdelay $0x1  }
0xe4: {  	v7 =	vadd.f32 v8, v7;
	_ =	sdelay $0x1  }
0xe5: {  	[tilespmem:s7+$0x30] =	vst v7  }
0xe6: {  	v7 =	vld [tilespmem:s15+$0x3940]  }
0xe7: {  	v8 =	vld [tilespmem:s15+$0x4100];
	_ =	sdelay $0x1  }
0xe8: {  	v9 =	vld [tilespmem:s15+$0x4540];
	_ =	sdelay $0x1  }
0xe9: {  	v10 =	vld [tilespmem:s15+$0x4D00]  }
0xea: {  	v7 =	vmul.f32 v7, v5;
	v8 =	vmul.f32 v8, v3;
	_ =	sdelay $0x1  }
0xeb: {  	v9 =	vmul.f32 v9, v4;
	v7 =	vadd.f32 v8, v7;
	_ =	sdelay $0x1  }
0xec: {  	v8 =	vmul.f32 v10, v6;
	v7 =	vadd.f32 v9, v7;
	_ =	sdelay $0x1  }
0xed: {  	v7 =	vadd.f32 v8, v7;
	_ =	sdelay $0x1  }
0xee: {  	[tilespmem:s7+$0x40] =	vst v7  }
0xef: {  	v7 =	vld [tilespmem:s15+$0x3950]  }
0xf0: {  	v8 =	vld [tilespmem:s15+$0x4110];
	_ =	sdelay $0x1  }
0xf1: {  	v9 =	vld [tilespmem:s15+$0x4550];
	_ =	sdelay $0x1  }
0xf2: {  	v10 =	vld [tilespmem:s15+$0x4D10]  }
0xf3: {  	v7 =	vmul.f32 v7, v5;
	v8 =	vmul.f32 v8, v3;
	_ =	sdelay $0x1  }
0xf4: {  	v9 =	vmul.f32 v9, v4;
	v7 =	vadd.f32 v8, v7;
	_ =	sdelay $0x1  }
0xf5: {  	v8 =	vmul.f32 v10, v6;
	v7 =	vadd.f32 v9, v7;
	_ =	sdelay $0x1  }
0xf6: {  	v7 =	vadd.f32 v8, v7;
	_ =	sdelay $0x1  }
0xf7: {  	[tilespmem:s7+$0x50] =	vst v7  }
0xf8: {  	v7 =	vld [tilespmem:s15+$0x3960]  }
0xf9: {  	v8 =	vld [tilespmem:s15+$0x4120];
	_ =	sdelay $0x1  }
0xfa: {  	v9 =	vld [tilespmem:s15+$0x4560];
	_ =	sdelay $0x1  }
0xfb: {  	v10 =	vld [tilespmem:s15+$0x4D20]  }
0xfc: {  	v7 =	vmul.f32 v7, v5;
	v8 =	vmul.f32 v8, v3;
	_ =	sdelay $0x1  }
0xfd: {  	v9 =	vmul.f32 v9, v4;
	v7 =	vadd.f32 v8, v7;
	_ =	sdelay $0x1  }
0xfe: {  	v8 =	vmul.f32 v10, v6;
	v7 =	vadd.f32 v9, v7;
	_ =	sdelay $0x1  }
0xff: {  	v7 =	vadd.f32 v8, v7;
	_ =	sdelay $0x1  }
0x100: {  	[tilespmem:s7+$0x60] =	vst v7  }
0x101: {  	v7 =	vld [tilespmem:s15+$0x3970]  }
0x102: {  	v8 =	vld [tilespmem:s15+$0x4130];
	_ =	sdelay $0x1  }
0x103: {  	v9 =	vld [tilespmem:s15+$0x4570];
	_ =	sdelay $0x1  }
0x104: {  	v10 =	vld [tilespmem:s15+$0x4D30]  }
0x105: {  	v7 =	vmul.f32 v7, v5;
	v8 =	vmul.f32 v8, v3;
	_ =	sdelay $0x1  }
0x106: {  	v9 =	vmul.f32 v9, v4;
	v7 =	vadd.f32 v8, v7;
	_ =	sdelay $0x1  }
0x107: {  	v8 =	vmul.f32 v10, v6;
	v7 =	vadd.f32 v9, v7;
	_ =	sdelay $0x1  }
0x108: {  	v7 =	vadd.f32 v8, v7;
	_ =	sdelay $0x1  }
0x109: {  	[tilespmem:s7+$0x70] =	vst v7  }
0x10a: {  	v7 =	vld [tilespmem:s15+$0x3D00]  }
0x10b: {  	v8 =	vld [tilespmem:s15+$0x4140];
	_ =	sdelay $0x1  }
0x10c: {  	v9 =	vld [tilespmem:s15+$0x4900];
	_ =	sdelay $0x1  }
0x10d: {  	v10 =	vld [tilespmem:s15+$0x4D40]  }
0x10e: {  	v7 =	vmul.f32 v7, v5;
	v8 =	vmul.f32 v8, v3;
	_ =	sdelay $0x1  }
0x10f: {  	v9 =	vmul.f32 v9, v4;
	v7 =	vadd.f32 v8, v7;
	_ =	sdelay $0x1  }
0x110: {  	v8 =	vmul.f32 v10, v6;
	v7 =	vadd.f32 v9, v7;
	_ =	sdelay $0x1  }
0x111: {  	v7 =	vadd.f32 v8, v7;
	_ =	sdelay $0x1  }
0x112: {  	[tilespmem:s7+$0x400] =	vst v7  }
0x113: {  	v7 =	vld [tilespmem:s15+$0x3D10]  }
0x114: {  	v8 =	vld [tilespmem:s15+$0x4150];
	_ =	sdelay $0x1  }
0x115: {  	v9 =	vld [tilespmem:s15+$0x4910];
	_ =	sdelay $0x1  }
0x116: {  	v10 =	vld [tilespmem:s15+$0x4D50]  }
0x117: {  	v7 =	vmul.f32 v7, v5;
	v8 =	vmul.f32 v8, v3;
	_ =	sdelay $0x1  }
0x118: {  	v7 =	vadd.f32 v8, v7;
	v8 =	vmul.f32 v9, v4;
	_ =	sdelay $0x1  }
0x119: {  	v9 =	vmul.f32 v10, v6;
	v7 =	vadd.f32 v8, v7;
	_ =	sdelay $0x1  }
0x11a: {  	v7 =	vadd.f32 v9, v7;
	_ =	sdelay $0x1  }
0x11b: {  	[tilespmem:s7+$0x410] =	vst v7  }
0x11c: {  	v7 =	vld [tilespmem:s15+$0x4160]  }
0x11d: {  	v8 =	vld [tilespmem:s15+$0x3D20]  }
0x11e: {  	v9 =	vld [tilespmem:s15+$0x4920]  }
0x11f: {  	v10 =	vld [tilespmem:s15+$0x4D60];
	_ =	sdelay $0x2  }
0x120: {  	v7 =	vmul.f32 v7, v3;
	v8 =	vmul.f32 v8, v5;
	_ =	sdelay $0x1  }
0x121: {  	s18 =	simm.s32 $0x1;
	s16 =	sadd.s32 s4, s0;
	v9 =	vmul.f32 v9, v4;
	v8 =	vadd.f32 v7, v8;
	v7 =	vmul.f32 v10, v6  }
.LBB2_6:
0x122: {  	_ = 	snop  }
0x123: {  	p2 =	sne.s32 s18, $0x37;
	s9 =	sadd.s32 $0x80, s9;
	s12 =	sadd.s32 $0x80, s12;
	v8 =	vadd.f32 v9, v8  }
0x124: {  	s19 =	smov.u32 s18;
	s18 =	sadd.s32 $0x1, s18  }
0x125: {  	v7 =	vadd.f32 v7, v8;
	_ =	sdelay $0x1  }
0x126: {  	[tilespmem:s7+$0x420] =	vst v7  }
0x127: {  	v7 =	vld [tilespmem:s15+$0x3D30]  }
0x128: {  	v8 =	vld [tilespmem:s15+$0x4170]  }
0x129: {  	v9 =	vld [tilespmem:s15+$0x4930]  }
0x12a: {  	v10 =	vld [tilespmem:s15+$0x4D70];
	_ =	sdelay $0x1  }
0x12b: {  	v5 =	vmul.f32 v7, v5  }
0x12c: {  	v3 =	vmul.f32 v8, v3  }
0x12d: {  	s15 =	sshrl.u32 s19, $0x3;
	v4 =	vmul.f32 v9, v4  }
0x12e: {  	s15 =	smul.u32 $0x6000, s15;
	v3 =	vadd.f32 v3, v5;
	v5 =	vmul.f32 v10, v6;
	_ =	sdelay $0x1  }
0x12f: {  	s14 =	sand.u32 $0x380, s9;
	s15 =	sshra.s32 s15, $0x2;
	v3 =	vadd.f32 v4, v3  }
0x130: {  	s15 =	sor.u32 s14, s15  }
0x131: {  	v3 =	vadd.f32 v5, v3;
	_ =	sdelay $0x1  }
0x132: {  	[tilespmem:s7+$0x430] =	vst v3  }
0x133: {  	v3 =	vld [tilespmem:s12+$0xFFFFFFF0]  }
0x134: {  	v7 =	vld [tilespmem:s15+$0x3D40]  }
0x135: {  	v5 =	vld [tilespmem:s12+$0xFFFFFFE0]  }
0x136: {  	v4 =	vld [tilespmem:s12+$0x0]  }
0x137: {  	v8 =	vld [tilespmem:s15+$0x4500]  }
0x138: {  	v9 =	vld [tilespmem:s15+$0x3900];
	_ =	sdelay $0x1  }
0x139: {  	v6 =	vld [tilespmem:s12+$0x10]  }
0x13a: {  	v10 =	vld [tilespmem:s15+$0x4940]  }
0x13b: {  	v7 =	vmul.f32 v7, v3;
	v8 =	vmul.f32 v8, v4  }
0x13c: {  	v9 =	vmul.f32 v9, v5;
	_ =	sdelay $0x1  }
0x13d: {  	v7 =	vadd.f32 v7, v9  }
0x13e: {  	v9 =	vmul.f32 v10, v6  }
0x13f: {  	v7 =	vadd.f32 v8, v7  }
0x140: {  	s7 =	sshll.u32 s19, $0x8  }
0x141: {  	s7 =	sand.u32 $0x3FFFF800, s7;
	v7 =	vadd.f32 v9, v7  }
0x142: {  	s7 =	sor.u32 s14, s7  }
0x143: {  	[tilespmem:s7+$0x18900] =	vst v7  }
0x144: {  	v7 =	vld [tilespmem:s15+$0x3910]  }
0x145: {  	v8 =	vld [tilespmem:s15+$0x3D50]  }
0x146: {  	v9 =	vld [tilespmem:s15+$0x4510]  }
0x147: {  	v10 =	vld [tilespmem:s15+$0x4950];
	_ =	sdelay $0x1  }
0x148: {  	v7 =	vmul.f32 v7, v5  }
0x149: {  	v8 =	vmul.f32 v8, v3  }
0x14a: {  	v9 =	vmul.f32 v9, v4  }
0x14b: {  	v7 =	vadd.f32 v8, v7;
	v8 =	vmul.f32 v10, v6;
	_ =	sdelay $0x1  }
0x14c: {  	v7 =	vadd.f32 v9, v7;
	_ =	sdelay $0x1  }
0x14d: {  	v7 =	vadd.f32 v8, v7  }
0x14e: {  	s7 =	sadd.s32 $0x18900, s7  }
0x14f: {  	[tilespmem:s7+$0x10] =	vst v7  }
0x150: {  	v7 =	vld [tilespmem:s15+$0x3920]  }
0x151: {  	v8 =	vld [tilespmem:s15+$0x3D60]  }
0x152: {  	v9 =	vld [tilespmem:s15+$0x4520]  }
0x153: {  	v10 =	vld [tilespmem:s15+$0x4960];
	_ =	sdelay $0x1  }
0x154: {  	v7 =	vmul.f32 v7, v5  }
0x155: {  	v8 =	vmul.f32 v8, v3;
	_ =	sdelay $0x1  }
0x156: {  	v7 =	vadd.f32 v8, v7;
	v8 =	vmul.f32 v9, v4;
	v9 =	vmul.f32 v10, v6;
	_ =	sdelay $0x1  }
0x157: {  	v7 =	vadd.f32 v8, v7;
	_ =	sdelay $0x1  }
0x158: {  	v7 =	vadd.f32 v9, v7;
	_ =	sdelay $0x1  }
0x159: {  	[tilespmem:s7+$0x20] =	vst v7  }
0x15a: {  	v7 =	vld [tilespmem:s15+$0x3930]  }
0x15b: {  	v8 =	vld [tilespmem:s15+$0x3D70]  }
0x15c: {  	v9 =	vld [tilespmem:s15+$0x4530]  }
0x15d: {  	v10 =	vld [tilespmem:s15+$0x4970];
	_ =	sdelay $0x1  }
0x15e: {  	v7 =	vmul.f32 v7, v5  }
0x15f: {  	v8 =	vmul.f32 v8, v3  }
0x160: {  	v9 =	vmul.f32 v9, v4  }
0x161: {  	v7 =	vadd.f32 v8, v7;
	v8 =	vmul.f32 v10, v6;
	_ =	sdelay $0x1  }
0x162: {  	v7 =	vadd.f32 v9, v7;
	_ =	sdelay $0x1  }
0x163: {  	v7 =	vadd.f32 v8, v7;
	_ =	sdelay $0x1  }
0x164: {  	[tilespmem:s7+$0x30] =	vst v7  }
0x165: {  	v7 =	vld [tilespmem:s15+$0x3940]  }
0x166: {  	v8 =	vld [tilespmem:s15+$0x4100]  }
0x167: {  	v9 =	vld [tilespmem:s15+$0x4540];
	_ =	sdelay $0x2  }
0x168: {  	v7 =	vmul.f32 v7, v5;
	v10 =	vld [tilespmem:s15+$0x4D00]  }
0x169: {  	v8 =	vmul.f32 v8, v3  }
0x16a: {  	v9 =	vmul.f32 v9, v4  }
0x16b: {  	v7 =	vadd.f32 v8, v7;
	_ =	sdelay $0x1  }
0x16c: {  	v7 =	vadd.f32 v9, v7;
	v8 =	vmul.f32 v10, v6;
	_ =	sdelay $0x1  }
0x16d: {  	v7 =	vadd.f32 v8, v7;
	_ =	sdelay $0x1  }
0x16e: {  	[tilespmem:s7+$0x40] =	vst v7  }
0x16f: {  	v7 =	vld [tilespmem:s15+$0x3950]  }
0x170: {  	v8 =	vld [tilespmem:s15+$0x4110]  }
0x171: {  	v9 =	vld [tilespmem:s15+$0x4550];
	_ =	sdelay $0x2  }
0x172: {  	v7 =	vmul.f32 v7, v5;
	v10 =	vld [tilespmem:s15+$0x4D10]  }
0x173: {  	v8 =	vmul.f32 v8, v3  }
0x174: {  	v9 =	vmul.f32 v9, v4  }
0x175: {  	v7 =	vadd.f32 v8, v7;
	_ =	sdelay $0x1  }
0x176: {  	v7 =	vadd.f32 v9, v7;
	v8 =	vmul.f32 v10, v6;
	_ =	sdelay $0x1  }
0x177: {  	v7 =	vadd.f32 v8, v7;
	_ =	sdelay $0x1  }
0x178: {  	[tilespmem:s7+$0x50] =	vst v7  }
0x179: {  	v7 =	vld [tilespmem:s15+$0x3960]  }
0x17a: {  	v8 =	vld [tilespmem:s15+$0x4120]  }
0x17b: {  	v9 =	vld [tilespmem:s15+$0x4560]  }
0x17c: {  	v10 =	vld [tilespmem:s15+$0x4D20];
	_ =	sdelay $0x1  }
0x17d: {  	v7 =	vmul.f32 v7, v5  }
0x17e: {  	v8 =	vmul.f32 v8, v3  }
0x17f: {  	v9 =	vmul.f32 v9, v4  }
0x180: {  	v7 =	vadd.f32 v8, v7;
	v8 =	vmul.f32 v10, v6;
	_ =	sdelay $0x1  }
0x181: {  	v7 =	vadd.f32 v9, v7;
	_ =	sdelay $0x1  }
0x182: {  	v7 =	vadd.f32 v8, v7;
	_ =	sdelay $0x1  }
0x183: {  	[tilespmem:s7+$0x60] =	vst v7  }
0x184: {  	v7 =	vld [tilespmem:s15+$0x3970]  }
0x185: {  	v8 =	vld [tilespmem:s15+$0x4130]  }
0x186: {  	v9 =	vld [tilespmem:s15+$0x4570]  }
0x187: {  	v10 =	vld [tilespmem:s15+$0x4D30];
	_ =	sdelay $0x1  }
0x188: {  	v7 =	vmul.f32 v7, v5  }
0x189: {  	v8 =	vmul.f32 v8, v3  }
0x18a: {  	v9 =	vmul.f32 v9, v4  }
0x18b: {  	v7 =	vadd.f32 v8, v7;
	v8 =	vmul.f32 v10, v6;
	_ =	sdelay $0x1  }
0x18c: {  	v7 =	vadd.f32 v9, v7;
	_ =	sdelay $0x1  }
0x18d: {  	v7 =	vadd.f32 v8, v7;
	_ =	sdelay $0x1  }
0x18e: {  	[tilespmem:s7+$0x70] =	vst v7  }
0x18f: {  	v7 =	vld [tilespmem:s15+$0x3D00]  }
0x190: {  	v8 =	vld [tilespmem:s15+$0x4140]  }
0x191: {  	v9 =	vld [tilespmem:s15+$0x4900]  }
0x192: {  	v10 =	vld [tilespmem:s15+$0x4D40];
	_ =	sdelay $0x1  }
0x193: {  	v7 =	vmul.f32 v7, v5  }
0x194: {  	v8 =	vmul.f32 v8, v3  }
0x195: {  	v9 =	vmul.f32 v9, v4  }
0x196: {  	v7 =	vadd.f32 v8, v7;
	v8 =	vmul.f32 v10, v6;
	_ =	sdelay $0x1  }
0x197: {  	v7 =	vadd.f32 v9, v7;
	_ =	sdelay $0x1  }
0x198: {  	v7 =	vadd.f32 v8, v7;
	_ =	sdelay $0x1  }
0x199: {  	[tilespmem:s7+$0x400] =	vst v7  }
0x19a: {  	v7 =	vld [tilespmem:s15+$0x3D10]  }
0x19b: {  	v8 =	vld [tilespmem:s15+$0x4150]  }
0x19c: {  	v9 =	vld [tilespmem:s15+$0x4910]  }
0x19d: {  	v10 =	vld [tilespmem:s15+$0x4D50];
	_ =	sdelay $0x1  }
0x19e: {  	v7 =	vmul.f32 v7, v5  }
0x19f: {  	v8 =	vmul.f32 v8, v3;
	_ =	sdelay $0x1  }
0x1a0: {  	v7 =	vadd.f32 v8, v7;
	v8 =	vmul.f32 v9, v4;
	v9 =	vmul.f32 v10, v6;
	_ =	sdelay $0x1  }
0x1a1: {  	v7 =	vadd.f32 v8, v7;
	_ =	sdelay $0x1  }
0x1a2: {  	v7 =	vadd.f32 v9, v7;
	_ =	sdelay $0x1  }
0x1a3: {  	[tilespmem:s7+$0x410] =	vst v7  }
0x1a4: {  	v7 =	vld [tilespmem:s15+$0x4160]  }
0x1a5: {  	v8 =	vld [tilespmem:s15+$0x3D20]  }
0x1a6: {  	v9 =	vld [tilespmem:s15+$0x4920]  }
0x1a7: {  	v10 =	vld [tilespmem:s15+$0x4D60]  }
.Ltmp2:
0x1a8: {  	(pc) =	sbr.rel @p2 .LBB2_6-.Ltmp2, $3  }
0x1a9: {  	v7 =	vmul.f32 v7, v3  }
0x1aa: {  	v8 =	vmul.f32 v8, v5;
	_ =	sdelay $0x1  }
0x1ab: {  	v9 =	vmul.f32 v9, v4;
	v8 =	vadd.f32 v7, v8;
	v7 =	vmul.f32 v10, v6  }
0x1ac: {  	_ = 	snop  }
0x1ad: {  	v8 =	vadd.f32 v9, v8;
	_ =	sdelay $0x1  }
0x1ae: {  	v7 =	vadd.f32 v7, v8;
	_ =	sdelay $0x1  }
0x1af: {  	[tilespmem:s7+$0x420] =	vst v7  }
0x1b0: {  	v7 =	vld [tilespmem:s15+$0x3D30]  }
0x1b1: {  	v61 =	vld [tilespmem:s15+$0x4170];
	_ =	sdelay $0x1  }
0x1b2: {  	v62 =	vld [tilespmem:s15+$0x4930];
	_ =	sdelay $0x1  }
0x1b3: {  	v10 =	vld [tilespmem:s15+$0x4D70]  }
0x1b4: {  	v5 =	vmul.f32 v7, v5;
	v3 =	vmul.f32 v61, v3;
	_ =	sdelay $0x1  }
0x1b5: {  	v4 =	vmul.f32 v62, v4;
	v3 =	vadd.f32 v3, v5;
	_ =	sdelay $0x1  }
0x1b6: {  	v63 =	vmul.f32 v10, v6;
	v3 =	vadd.f32 v4, v3  }
.Ltmp3:
0x1b7: {  	_ = 	snop;
	(pc) =	sbr.rel @!p1 .LBB2_8-.Ltmp3, $4  }
0x1b8: {  	v3 =	vadd.f32 v63, v3  }
0x1b9: {  	s9 =	sshll.u32 s16, $0x5  }
0x1ba: {  	s19 =	sadd.s32 s8, s9;
	[tilespmem:s7+$0x430] =	vst v3  }
0x1bb: {  	[hbm4b:s19+s3] =	stream.linear.scatter [tilespmem:s24], [sflag:$0x5], $0x3800, $0x38;
	[tilespmem:$0x1F900] =	vst v63  }
0x1bc: {  	_ =	swait.ge [sflag:s25], $0xA800  }
.Ltmp4:
0x1bd: {  	[sflag:s25] =	ssyncset.done $0x0;
	(pc) =	sbr.rel .LBB2_10-.Ltmp4, $4  }
0x1be: {  	[sflag:s25] =	ssyncadd.s32 $0xFFFF5800  }
0x1bf: {  	_ =	swait.ge [sflag:s25], $0x1C00  }
0x1c0: {  	[sflag:s25] =	ssyncset.done $0x0  }
0x1c1: {  	[sflag:s25] =	ssyncadd.s32 $0xFFFFE400  }
.LBB2_8:
0x1c2: {  	_ =	swait.ge [sflag:s17], $0x38  }
0x1c3: {  	[sflag:s17] =	ssyncset.done $0x0  }
0x1c4: {  	[sflag:s17] =	ssyncadd.s32 $0xFFFFFFC8  }
0x1c5: {  	v3 =	vld [tilespmem:$0x0];
	_ =	sdelay $0x4  }
0x1c6: {  	v4 =	vshrl.u32 v3, $0x3  }
0x1c7: {  	v4 =	vmul.u32 $0x30, v4  }
0x1c8: {  	v3 =	vand.u32 $0x7, v3  }
0x1c9: {  	v3 =	vor.u32 v3, v4  }
0x1ca: {  	v4 =	vperm.xlane v3, v0;
	_ =	sdelay $0x1  }
0x1cb: {  	v4 =	vadd.s32 v1, v4;
	_ =	sdelay $0x3  }
0x1cc: {  	s7 =	simm.s32 $0x3900;
	v3 =	vperm.xlane v3, v2  }
0x1cd: {  	[tilespmem:s7], [sflag:$0x3] =	stream.indirect_vreg.gather [hbm4b:s5+s3], $0x80, v4, vm0, $0xb8;
	[tilespmem:$0x1F900] =	vst v63  }
0x1ce: {  	s18 =	simm.s32 $0x4100;
	v3 =	vadd.s32 v1, v3  }
0x1cf: {  	[tilespmem:s18], [sflag:$0x3] =	stream.indirect_vreg.gather [hbm4b:s10+s3], $0x80, v4, vm0, $0xb8;
	[tilespmem:$0x1F900] =	vst v63  }
0x1d0: {  	s19 =	simm.s32 $0x4900  }
0x1d1: {  	[tilespmem:s19], [sflag:$0x3] =	stream.indirect_vreg.gather [hbm4b:s11+s3], $0x80, v4, vm0, $0xb8;
	[tilespmem:$0x1F900] =	vst v63  }
0x1d2: {  	s9 =	simm.s32 $0x5100  }
0x1d3: {  	[tilespmem:s9], [sflag:$0x3] =	stream.indirect_vreg.gather [hbm4b:s5+s3], $0x80, v3, vm0, $0xb8;
	[tilespmem:$0x1F900] =	vst v63  }
0x1d4: {  	s12 =	simm.s32 $0x5900  }
0x1d5: {  	[tilespmem:s12], [sflag:$0x3] =	stream.indirect_vreg.gather [hbm4b:s10+s3], $0x80, v3, vm0, $0xb8;
	[tilespmem:$0x1F900] =	vst v63  }
0x1d6: {  	s14 =	simm.s32 $0x6100  }
0x1d7: {  	[tilespmem:s14], [sflag:$0x3] =	stream.indirect_vreg.gather [hbm4b:s11+s3], $0x80, v3, vm0, $0xb8;
	[tilespmem:$0x1F900] =	vst v63  }
0x1d8: {  	v3 =	vld [tilespmem:$0x10];
	_ =	sdelay $0x4  }
0x1d9: {  	v61 =	vshrl.u32 v3, $0x3  }
0x1da: {  	v4 =	vmul.u32 $0x30, v61  }
0x1db: {  	v3 =	vand.u32 $0x7, v3  }
0x1dc: {  	v3 =	vor.u32 v3, v4  }
0x1dd: {  	v4 =	vperm.xlane v3, v0;
	_ =	sdelay $0x1  }
0x1de: {  	v4 =	vadd.s32 v1, v4;
	_ =	sdelay $0x3  }
0x1df: {  	s15 =	simm.s32 $0x6900;
	v3 =	vperm.xlane v3, v2  }
0x1e0: {  	[tilespmem:s15], [sflag:$0x3] =	stream.indirect_vreg.gather [hbm4b:s5+s3], $0x80, v4, vm0, $0xb8;
	[tilespmem:$0x1F900] =	vst v63  }
0x1e1: {  	s16 =	simm.s32 $0x7100;
	v3 =	vadd.s32 v1, v3  }
0x1e2: {  	[tilespmem:s16], [sflag:$0x3] =	stream.indirect_vreg.gather [hbm4b:s10+s3], $0x80, v4, vm0, $0xb8;
	[tilespmem:$0x1F900] =	vst v63  }
0x1e3: {  	s18 =	simm.s32 $0x7900  }
0x1e4: {  	[tilespmem:s18], [sflag:$0x3] =	stream.indirect_vreg.gather [hbm4b:s11+s3], $0x80, v4, vm0, $0xb8;
	[tilespmem:$0x1F900] =	vst v63  }
0x1e5: {  	s19 =	simm.s32 $0x8100  }
0x1e6: {  	[tilespmem:s19], [sflag:$0x3] =	stream.indirect_vreg.gather [hbm4b:s5+s3], $0x80, v3, vm0, $0xb8;
	[tilespmem:$0x1F900] =	vst v63  }
0x1e7: {  	s9 =	simm.s32 $0x8900  }
0x1e8: {  	[tilespmem:s9], [sflag:$0x3] =	stream.indirect_vreg.gather [hbm4b:s10+s3], $0x80, v3, vm0, $0xb8;
	[tilespmem:$0x1F900] =	vst v63  }
0x1e9: {  	s12 =	simm.s32 $0x9100  }
0x1ea: {  	[tilespmem:s12], [sflag:$0x3] =	stream.indirect_vreg.gather [hbm4b:s11+s3], $0x80, v3, vm0, $0xb8;
	[tilespmem:$0x1F900] =	vst v63  }
0x1eb: {  	v3 =	vld [tilespmem:$0x20];
	_ =	sdelay $0x4  }
0x1ec: {  	v62 =	vshrl.u32 v3, $0x3  }
0x1ed: {  	v4 =	vmul.u32 $0x30, v62  }
0x1ee: {  	v3 =	vand.u32 $0x7, v3  }
0x1ef: {  	v3 =	vor.u32 v3, v4  }
0x1f0: {  	v4 =	vperm.xlane v3, v0;
	_ =	sdelay $0x1  }
0x1f1: {  	v4 =	vadd.s32 v1, v4;
	_ =	sdelay $0x3  }
0x1f2: {  	s14 =	simm.s32 $0x9900;
	v3 =	vperm.xlane v3, v2  }
0x1f3: {  	[tilespmem:s14], [sflag:$0x3] =	stream.indirect_vreg.gather [hbm4b:s5+s3], $0x80, v4, vm0, $0xb8;
	[tilespmem:$0x1F900] =	vst v63  }
0x1f4: {  	s15 =	simm.s32 $0xA100;
	v3 =	vadd.s32 v1, v3  }
0x1f5: {  	[tilespmem:s15], [sflag:$0x3] =	stream.indirect_vreg.gather [hbm4b:s10+s3], $0x80, v4, vm0, $0xb8;
	[tilespmem:$0x1F900] =	vst v63  }
0x1f6: {  	s16 =	simm.s32 $0xA900  }
0x1f7: {  	[tilespmem:s16], [sflag:$0x3] =	stream.indirect_vreg.gather [hbm4b:s11+s3], $0x80, v4, vm0, $0xb8;
	[tilespmem:$0x1F900] =	vst v63  }
0x1f8: {  	s18 =	simm.s32 $0xB100  }
0x1f9: {  	[tilespmem:s18], [sflag:$0x3] =	stream.indirect_vreg.gather [hbm4b:s5+s3], $0x80, v3, vm0, $0xb8;
	[tilespmem:$0x1F900] =	vst v63  }
0x1fa: {  	s19 =	simm.s32 $0xB900  }
0x1fb: {  	[tilespmem:s19], [sflag:$0x3] =	stream.indirect_vreg.gather [hbm4b:s10+s3], $0x80, v3, vm0, $0xb8;
	[tilespmem:$0x1F900] =	vst v63  }
0x1fc: {  	s9 =	simm.s32 $0xC100  }
0x1fd: {  	[tilespmem:s9], [sflag:$0x3] =	stream.indirect_vreg.gather [hbm4b:s11+s3], $0x80, v3, vm0, $0xb8;
	[tilespmem:$0x1F900] =	vst v63  }
0x1fe: {  	v3 =	vld.msk [tilespmem:$0x30], $0xff;
	_ =	sdelay $0x4  }
0x1ff: {  	v63 =	vshrl.u32 v3, $0x3  }
0x200: {  	v4 =	vmul.u32 $0x30, v63  }
0x201: {  	v3 =	vand.u32 $0x7, v3  }
0x202: {  	v3 =	vor.u32 v3, v4  }
0x203: {  	v3 =	vperm.xlane v3, v0;
	_ =	sdelay $0x1  }
0x204: {  	v3 =	vadd.s32 v1, v3;
	_ =	sdelay $0x3  }
0x205: {  	s1 =	smul.u32 $0x38, s1;
	s12 =	simm.s32 $0xC900  }
0x206: {  	[tilespmem:s12], [sflag:$0x3] =	stream.indirect_vreg.gather [hbm4b:s5+s3], $0x80, v3, vm0, $0xb8;
	[tilespmem:$0x1F900] =	vst v63  }
0x207: {  	s1 =	sadd.s32 s4, s1;
	s14 =	simm.s32 $0xD100  }
0x208: {  	[tilespmem:s14], [sflag:$0x3] =	stream.indirect_vreg.gather [hbm4b:s10+s3], $0x80, v3, vm0, $0xb8;
	[tilespmem:$0x1F900] =	vst v63  }
0x209: {  	s1 =	sshll.u32 s1, $0x4;
	s15 =	simm.s32 $0xD900  }
0x20a: {  	[tilespmem:s15], [sflag:$0x3] =	stream.indirect_vreg.gather [hbm4b:s11+s3], $0x80, v3, vm0, $0xb8;
	[tilespmem:$0x1F900] =	vst v63  }
0x20b: {  	s1 =	sadd.s32 s2, s1;
	s16 =	simm.s32 $0x100  }
0x20c: {  	[tilespmem:s16], [sflag:$0x3] =	stream.linear.gather [hbm4b:s1+s3], $0x1C00, $0x38;
	[tilespmem:$0x1F900] =	vst v63  }
0x20d: {  	_ =	swait.ge [sflag:s25], $0xA800  }
0x20e: {  	[sflag:s25] =	ssyncset.done $0x0  }
0x20f: {  	[sflag:s25] =	ssyncadd.s32 $0xFFFF5800  }
0x210: {  	_ =	swait.ge [sflag:s25], $0x1C00  }
.Ltmp5:
0x211: {  	s18 =	rddreg [dreg:$0x6];
	(pc) =	sbr.rel @p0 .LBB2_11-.Ltmp5, $4  }
0x212: {  	s0 =	sadd.s32 s0, s18  }
0x213: {  	[sflag:s25] =	ssyncset.done $0x0;
	s0 =	sshrl.u32 s0, $0x3  }
0x214: {  	s19 =	simm.s32 $0x80;
	[sflag:s25] =	ssyncadd.s32 $0xFFFFE400;
	s0 =	sadd.s32 s6, s0  }
0x215: {  	[tilespmem:s19], [sflag:$0x2] =	stream.linear.gather [hbm4b:s0+s3], $0x38, $0x38;
	[tilespmem:$0x1F900] =	vst v63  }
.LBB2_10:
0x216: {  	_ =	swait.ge [sflag:s26], $0x3800  }
0x217: {  	[sflag:s26] =	ssyncset.done $0x0  }
0x218: {  	[sflag:s26] =	ssyncadd.s32 $0xFFFFC800  }
.LBB2_11:
0x219: {  	s0 =	simm.s32 $0x0  }
0x21a: {  	s7 =	smul.u32 $0x6000, s0  }
0x21b: {  	s1 =	simm.s32 $0x1D20;
	s0 =	simm.s32 $0x0  }
0x21c: {  	v3 =	vld [tilespmem:s1+$0xFFFFFFF0];
	s12 =	sand.u32 $0x380, s0;
	s7 =	sshra.s32 s7, $0x2  }
0x21d: {  	v5 =	vld [tilespmem:s1+$0xFFFFFFE0];
	s9 =	sor.u32 s12, s7  }
0x21e: {  	v7 =	vld [tilespmem:s9+$0xE540]  }
0x21f: {  	v8 =	vld [tilespmem:s9+$0xE100]  }
0x220: {  	v4 =	vld [tilespmem:s1+$0x0]  }
0x221: {  	v9 =	vld [tilespmem:s9+$0xED00]  }
0x222: {  	v6 =	vld [tilespmem:s1+$0x10]  }
0x223: {  	v10 =	vld [tilespmem:s9+$0xF140]  }
0x224: {  	v7 =	vmul.f32 v7, v3;
	v8 =	vmul.f32 v8, v5;
	_ =	sdelay $0x1  }
0x225: {  	v9 =	vmul.f32 v9, v4;
	v7 =	vadd.f32 v7, v8;
	_ =	sdelay $0x1  }
0x226: {  	v8 =	vmul.f32 v10, v6;
	v7 =	vadd.f32 v9, v7  }
0x227: {  	s19 =	simm.s32 $0x0  }
0x228: {  	s7 =	sand.u32 $0x3FFFF800, s19;
	v7 =	vadd.f32 v8, v7  }
0x229: {  	s7 =	sor.u32 s12, s7  }
0x22a: {  	[tilespmem:s7+$0x1C100] =	vst v7  }
0x22b: {  	v7 =	vld [tilespmem:s9+$0xE110]  }
0x22c: {  	v8 =	vld [tilespmem:s9+$0xE550];
	_ =	sdelay $0x1  }
0x22d: {  	v9 =	vld [tilespmem:s9+$0xED10];
	_ =	sdelay $0x1  }
0x22e: {  	v10 =	vld [tilespmem:s9+$0xF150]  }
0x22f: {  	v7 =	vmul.f32 v7, v5;
	v8 =	vmul.f32 v8, v3;
	_ =	sdelay $0x1  }
0x230: {  	v9 =	vmul.f32 v9, v4;
	v7 =	vadd.f32 v8, v7;
	_ =	sdelay $0x1  }
0x231: {  	v8 =	vmul.f32 v10, v6;
	v7 =	vadd.f32 v9, v7;
	_ =	sdelay $0x1  }
0x232: {  	v7 =	vadd.f32 v8, v7  }
0x233: {  	s7 =	sadd.s32 $0x1C100, s7  }
0x234: {  	[tilespmem:s7+$0x10] =	vst v7  }
0x235: {  	v7 =	vld [tilespmem:s9+$0xE120]  }
0x236: {  	v8 =	vld [tilespmem:s9+$0xE560];
	_ =	sdelay $0x1  }
0x237: {  	v9 =	vld [tilespmem:s9+$0xED20];
	_ =	sdelay $0x1  }
0x238: {  	v10 =	vld [tilespmem:s9+$0xF160]  }
0x239: {  	v7 =	vmul.f32 v7, v5;
	v8 =	vmul.f32 v8, v3;
	_ =	sdelay $0x1  }
0x23a: {  	v7 =	vadd.f32 v8, v7;
	v8 =	vmul.f32 v9, v4;
	_ =	sdelay $0x1  }
0x23b: {  	v9 =	vmul.f32 v10, v6;
	v7 =	vadd.f32 v8, v7;
	_ =	sdelay $0x1  }
0x23c: {  	v7 =	vadd.f32 v9, v7;
	_ =	sdelay $0x1  }
0x23d: {  	[tilespmem:s7+$0x20] =	vst v7  }
0x23e: {  	v7 =	vld [tilespmem:s9+$0xE130]  }
0x23f: {  	v8 =	vld [tilespmem:s9+$0xE570];
	_ =	sdelay $0x1  }
0x240: {  	v9 =	vld [tilespmem:s9+$0xED30];
	_ =	sdelay $0x1  }
0x241: {  	v10 =	vld [tilespmem:s9+$0xF170]  }
0x242: {  	v7 =	vmul.f32 v7, v5;
	v8 =	vmul.f32 v8, v3;
	_ =	sdelay $0x1  }
0x243: {  	v9 =	vmul.f32 v9, v4;
	v7 =	vadd.f32 v8, v7;
	_ =	sdelay $0x1  }
0x244: {  	v8 =	vmul.f32 v10, v6;
	v7 =	vadd.f32 v9, v7;
	_ =	sdelay $0x1  }
0x245: {  	v7 =	vadd.f32 v8, v7;
	_ =	sdelay $0x1  }
0x246: {  	[tilespmem:s7+$0x30] =	vst v7  }
0x247: {  	v7 =	vld [tilespmem:s9+$0xE140]  }
0x248: {  	v8 =	vld [tilespmem:s9+$0xE900];
	_ =	sdelay $0x1  }
0x249: {  	v9 =	vld [tilespmem:s9+$0xED40];
	_ =	sdelay $0x1  }
0x24a: {  	v10 =	vld [tilespmem:s9+$0xF500]  }
0x24b: {  	v7 =	vmul.f32 v7, v5;
	v8 =	vmul.f32 v8, v3;
	_ =	sdelay $0x1  }
0x24c: {  	v9 =	vmul.f32 v9, v4;
	v7 =	vadd.f32 v8, v7;
	_ =	sdelay $0x1  }
0x24d: {  	v8 =	vmul.f32 v10, v6;
	v7 =	vadd.f32 v9, v7;
	_ =	sdelay $0x1  }
0x24e: {  	v7 =	vadd.f32 v8, v7;
	_ =	sdelay $0x1  }
0x24f: {  	[tilespmem:s7+$0x40] =	vst v7  }
0x250: {  	v7 =	vld [tilespmem:s9+$0xE150]  }
0x251: {  	v8 =	vld [tilespmem:s9+$0xE910];
	_ =	sdelay $0x1  }
0x252: {  	v9 =	vld [tilespmem:s9+$0xED50];
	_ =	sdelay $0x1  }
0x253: {  	v10 =	vld [tilespmem:s9+$0xF510]  }
0x254: {  	v7 =	vmul.f32 v7, v5;
	v8 =	vmul.f32 v8, v3;
	_ =	sdelay $0x1  }
0x255: {  	v9 =	vmul.f32 v9, v4;
	v7 =	vadd.f32 v8, v7;
	_ =	sdelay $0x1  }
0x256: {  	v8 =	vmul.f32 v10, v6;
	v7 =	vadd.f32 v9, v7;
	_ =	sdelay $0x1  }
0x257: {  	v7 =	vadd.f32 v8, v7;
	_ =	sdelay $0x1  }
0x258: {  	[tilespmem:s7+$0x50] =	vst v7  }
0x259: {  	v7 =	vld [tilespmem:s9+$0xE160]  }
0x25a: {  	v8 =	vld [tilespmem:s9+$0xE920];
	_ =	sdelay $0x1  }
0x25b: {  	v9 =	vld [tilespmem:s9+$0xED60];
	_ =	sdelay $0x1  }
0x25c: {  	v10 =	vld [tilespmem:s9+$0xF520]  }
0x25d: {  	v7 =	vmul.f32 v7, v5;
	v8 =	vmul.f32 v8, v3;
	_ =	sdelay $0x1  }
0x25e: {  	v9 =	vmul.f32 v9, v4;
	v7 =	vadd.f32 v8, v7;
	_ =	sdelay $0x1  }
0x25f: {  	v8 =	vmul.f32 v10, v6;
	v7 =	vadd.f32 v9, v7;
	_ =	sdelay $0x1  }
0x260: {  	v7 =	vadd.f32 v8, v7;
	_ =	sdelay $0x1  }
0x261: {  	[tilespmem:s7+$0x60] =	vst v7  }
0x262: {  	v7 =	vld [tilespmem:s9+$0xE170]  }
0x263: {  	v8 =	vld [tilespmem:s9+$0xE930];
	_ =	sdelay $0x1  }
0x264: {  	v9 =	vld [tilespmem:s9+$0xED70];
	_ =	sdelay $0x1  }
0x265: {  	v10 =	vld [tilespmem:s9+$0xF530]  }
0x266: {  	v7 =	vmul.f32 v7, v5;
	v8 =	vmul.f32 v8, v3;
	_ =	sdelay $0x1  }
0x267: {  	v9 =	vmul.f32 v9, v4;
	v7 =	vadd.f32 v8, v7;
	_ =	sdelay $0x1  }
0x268: {  	v8 =	vmul.f32 v10, v6;
	v7 =	vadd.f32 v9, v7;
	_ =	sdelay $0x1  }
0x269: {  	v7 =	vadd.f32 v8, v7;
	_ =	sdelay $0x1  }
0x26a: {  	[tilespmem:s7+$0x70] =	vst v7  }
0x26b: {  	v7 =	vld [tilespmem:s9+$0xE500]  }
0x26c: {  	v8 =	vld [tilespmem:s9+$0xE940];
	_ =	sdelay $0x1  }
0x26d: {  	v9 =	vld [tilespmem:s9+$0xF100];
	_ =	sdelay $0x1  }
0x26e: {  	v10 =	vld [tilespmem:s9+$0xF540]  }
0x26f: {  	v7 =	vmul.f32 v7, v5;
	v8 =	vmul.f32 v8, v3;
	_ =	sdelay $0x1  }
0x270: {  	v9 =	vmul.f32 v9, v4;
	v7 =	vadd.f32 v8, v7;
	_ =	sdelay $0x1  }
0x271: {  	v8 =	vmul.f32 v10, v6;
	v7 =	vadd.f32 v9, v7;
	_ =	sdelay $0x1  }
0x272: {  	v7 =	vadd.f32 v8, v7;
	_ =	sdelay $0x1  }
0x273: {  	[tilespmem:s7+$0x400] =	vst v7  }
0x274: {  	v7 =	vld [tilespmem:s9+$0xE510]  }
0x275: {  	v8 =	vld [tilespmem:s9+$0xE950];
	_ =	sdelay $0x1  }
0x276: {  	v9 =	vld [tilespmem:s9+$0xF110];
	_ =	sdelay $0x1  }
0x277: {  	v10 =	vld [tilespmem:s9+$0xF550]  }
0x278: {  	v7 =	vmul.f32 v7, v5;
	v8 =	vmul.f32 v8, v3;
	_ =	sdelay $0x1  }
0x279: {  	v7 =	vadd.f32 v8, v7;
	v8 =	vmul.f32 v9, v4;
	_ =	sdelay $0x1  }
0x27a: {  	v9 =	vmul.f32 v10, v6;
	v7 =	vadd.f32 v8, v7;
	_ =	sdelay $0x1  }
0x27b: {  	v7 =	vadd.f32 v9, v7;
	_ =	sdelay $0x1  }
0x27c: {  	[tilespmem:s7+$0x410] =	vst v7  }
0x27d: {  	v7 =	vld [tilespmem:s9+$0xE960]  }
0x27e: {  	v8 =	vld [tilespmem:s9+$0xE520]  }
0x27f: {  	v9 =	vld [tilespmem:s9+$0xF120]  }
0x280: {  	v10 =	vld [tilespmem:s9+$0xF560];
	_ =	sdelay $0x2  }
0x281: {  	v7 =	vmul.f32 v7, v3;
	v8 =	vmul.f32 v8, v5;
	_ =	sdelay $0x1  }
0x282: {  	s12 =	simm.s32 $0x1;
	v9 =	vmul.f32 v9, v4;
	v8 =	vadd.f32 v7, v8;
	v7 =	vmul.f32 v10, v6  }
.LBB2_12:
0x283: {  	_ = 	snop  }
0x284: {  	p0 =	sne.s32 s12, $0x37;
	s0 =	sadd.s32 $0x80, s0;
	s1 =	sadd.s32 $0x80, s1;
	v8 =	vadd.f32 v9, v8  }
0x285: {  	s15 =	smov.u32 s12;
	s12 =	sadd.s32 $0x1, s12  }
0x286: {  	v7 =	vadd.f32 v7, v8;
	_ =	sdelay $0x1  }
0x287: {  	[tilespmem:s7+$0x420] =	vst v7  }
0x288: {  	v7 =	vld [tilespmem:s9+$0xE530]  }
0x289: {  	v8 =	vld [tilespmem:s9+$0xE970]  }
0x28a: {  	v9 =	vld [tilespmem:s9+$0xF130]  }
0x28b: {  	v10 =	vld [tilespmem:s9+$0xF570];
	_ =	sdelay $0x1  }
0x28c: {  	v5 =	vmul.f32 v7, v5  }
0x28d: {  	v3 =	vmul.f32 v8, v3  }
0x28e: {  	s9 =	sshrl.u32 s15, $0x3;
	v4 =	vmul.f32 v9, v4  }
0x28f: {  	s9 =	smul.u32 $0x6000, s9;
	v3 =	vadd.f32 v3, v5;
	v5 =	vmul.f32 v10, v6;
	_ =	sdelay $0x1  }
0x290: {  	s14 =	sand.u32 $0x380, s0;
	s9 =	sshra.s32 s9, $0x2;
	v3 =	vadd.f32 v4, v3  }
0x291: {  	s9 =	sor.u32 s14, s9  }
0x292: {  	v3 =	vadd.f32 v5, v3;
	_ =	sdelay $0x1  }
0x293: {  	[tilespmem:s7+$0x430] =	vst v3  }
0x294: {  	v3 =	vld [tilespmem:s1+$0xFFFFFFF0]  }
0x295: {  	v7 =	vld [tilespmem:s9+$0xE540]  }
0x296: {  	v5 =	vld [tilespmem:s1+$0xFFFFFFE0]  }
0x297: {  	v4 =	vld [tilespmem:s1+$0x0]  }
0x298: {  	v8 =	vld [tilespmem:s9+$0xED00]  }
0x299: {  	v9 =	vld [tilespmem:s9+$0xE100];
	_ =	sdelay $0x1  }
0x29a: {  	v6 =	vld [tilespmem:s1+$0x10]  }
0x29b: {  	v10 =	vld [tilespmem:s9+$0xF140]  }
0x29c: {  	v7 =	vmul.f32 v7, v3;
	v8 =	vmul.f32 v8, v4  }
0x29d: {  	v9 =	vmul.f32 v9, v5;
	_ =	sdelay $0x1  }
0x29e: {  	v7 =	vadd.f32 v7, v9  }
0x29f: {  	v9 =	vmul.f32 v10, v6  }
0x2a0: {  	v7 =	vadd.f32 v8, v7  }
0x2a1: {  	s7 =	sshll.u32 s15, $0x8  }
0x2a2: {  	s7 =	sand.u32 $0x3FFFF800, s7;
	v7 =	vadd.f32 v9, v7  }
0x2a3: {  	s7 =	sor.u32 s14, s7  }
0x2a4: {  	[tilespmem:s7+$0x1C100] =	vst v7  }
0x2a5: {  	v7 =	vld [tilespmem:s9+$0xE110]  }
0x2a6: {  	v8 =	vld [tilespmem:s9+$0xE550]  }
0x2a7: {  	v9 =	vld [tilespmem:s9+$0xED10]  }
0x2a8: {  	v10 =	vld [tilespmem:s9+$0xF150];
	_ =	sdelay $0x1  }
0x2a9: {  	v7 =	vmul.f32 v7, v5  }
0x2aa: {  	v8 =	vmul.f32 v8, v3  }
0x2ab: {  	v9 =	vmul.f32 v9, v4  }
0x2ac: {  	v7 =	vadd.f32 v8, v7;
	v8 =	vmul.f32 v10, v6;
	_ =	sdelay $0x1  }
0x2ad: {  	v7 =	vadd.f32 v9, v7;
	_ =	sdelay $0x1  }
0x2ae: {  	v7 =	vadd.f32 v8, v7  }
0x2af: {  	s7 =	sadd.s32 $0x1C100, s7  }
0x2b0: {  	[tilespmem:s7+$0x10] =	vst v7  }
0x2b1: {  	v7 =	vld [tilespmem:s9+$0xE120]  }
0x2b2: {  	v8 =	vld [tilespmem:s9+$0xE560]  }
0x2b3: {  	v9 =	vld [tilespmem:s9+$0xED20]  }
0x2b4: {  	v10 =	vld [tilespmem:s9+$0xF160];
	_ =	sdelay $0x1  }
0x2b5: {  	v7 =	vmul.f32 v7, v5  }
0x2b6: {  	v8 =	vmul.f32 v8, v3;
	_ =	sdelay $0x1  }
0x2b7: {  	v7 =	vadd.f32 v8, v7;
	v8 =	vmul.f32 v9, v4;
	v9 =	vmul.f32 v10, v6;
	_ =	sdelay $0x1  }
0x2b8: {  	v7 =	vadd.f32 v8, v7;
	_ =	sdelay $0x1  }
0x2b9: {  	v7 =	vadd.f32 v9, v7;
	_ =	sdelay $0x1  }
0x2ba: {  	[tilespmem:s7+$0x20] =	vst v7  }
0x2bb: {  	v7 =	vld [tilespmem:s9+$0xE130]  }
0x2bc: {  	v8 =	vld [tilespmem:s9+$0xE570]  }
0x2bd: {  	v9 =	vld [tilespmem:s9+$0xED30]  }
0x2be: {  	v10 =	vld [tilespmem:s9+$0xF170];
	_ =	sdelay $0x1  }
0x2bf: {  	v7 =	vmul.f32 v7, v5  }
0x2c0: {  	v8 =	vmul.f32 v8, v3  }
0x2c1: {  	v9 =	vmul.f32 v9, v4  }
0x2c2: {  	v7 =	vadd.f32 v8, v7;
	v8 =	vmul.f32 v10, v6;
	_ =	sdelay $0x1  }
0x2c3: {  	v7 =	vadd.f32 v9, v7;
	_ =	sdelay $0x1  }
0x2c4: {  	v7 =	vadd.f32 v8, v7;
	_ =	sdelay $0x1  }
0x2c5: {  	[tilespmem:s7+$0x30] =	vst v7  }
0x2c6: {  	v7 =	vld [tilespmem:s9+$0xE140]  }
0x2c7: {  	v8 =	vld [tilespmem:s9+$0xE900]  }
0x2c8: {  	v9 =	vld [tilespmem:s9+$0xED40];
	_ =	sdelay $0x2  }
0x2c9: {  	v7 =	vmul.f32 v7, v5;
	v10 =	vld [tilespmem:s9+$0xF500]  }
0x2ca: {  	v8 =	vmul.f32 v8, v3  }
0x2cb: {  	v9 =	vmul.f32 v9, v4  }
0x2cc: {  	v7 =	vadd.f32 v8, v7;
	_ =	sdelay $0x1  }
0x2cd: {  	v7 =	vadd.f32 v9, v7;
	v8 =	vmul.f32 v10, v6;
	_ =	sdelay $0x1  }
0x2ce: {  	v7 =	vadd.f32 v8, v7;
	_ =	sdelay $0x1  }
0x2cf: {  	[tilespmem:s7+$0x40] =	vst v7  }
0x2d0: {  	v7 =	vld [tilespmem:s9+$0xE150]  }
0x2d1: {  	v8 =	vld [tilespmem:s9+$0xE910]  }
0x2d2: {  	v9 =	vld [tilespmem:s9+$0xED50];
	_ =	sdelay $0x2  }
0x2d3: {  	v7 =	vmul.f32 v7, v5;
	v10 =	vld [tilespmem:s9+$0xF510]  }
0x2d4: {  	v8 =	vmul.f32 v8, v3  }
0x2d5: {  	v9 =	vmul.f32 v9, v4  }
0x2d6: {  	v7 =	vadd.f32 v8, v7;
	_ =	sdelay $0x1  }
0x2d7: {  	v7 =	vadd.f32 v9, v7;
	v8 =	vmul.f32 v10, v6;
	_ =	sdelay $0x1  }
0x2d8: {  	v7 =	vadd.f32 v8, v7;
	_ =	sdelay $0x1  }
0x2d9: {  	[tilespmem:s7+$0x50] =	vst v7  }
0x2da: {  	v7 =	vld [tilespmem:s9+$0xE160]  }
0x2db: {  	v8 =	vld [tilespmem:s9+$0xE920]  }
0x2dc: {  	v9 =	vld [tilespmem:s9+$0xED60]  }
0x2dd: {  	v10 =	vld [tilespmem:s9+$0xF520];
	_ =	sdelay $0x1  }
0x2de: {  	v7 =	vmul.f32 v7, v5  }
0x2df: {  	v8 =	vmul.f32 v8, v3  }
0x2e0: {  	v9 =	vmul.f32 v9, v4  }
0x2e1: {  	v7 =	vadd.f32 v8, v7;
	v8 =	vmul.f32 v10, v6;
	_ =	sdelay $0x1  }
0x2e2: {  	v7 =	vadd.f32 v9, v7;
	_ =	sdelay $0x1  }
0x2e3: {  	v7 =	vadd.f32 v8, v7;
	_ =	sdelay $0x1  }
0x2e4: {  	[tilespmem:s7+$0x60] =	vst v7  }
0x2e5: {  	v7 =	vld [tilespmem:s9+$0xE170]  }
0x2e6: {  	v8 =	vld [tilespmem:s9+$0xE930]  }
0x2e7: {  	v9 =	vld [tilespmem:s9+$0xED70]  }
0x2e8: {  	v10 =	vld [tilespmem:s9+$0xF530];
	_ =	sdelay $0x1  }
0x2e9: {  	v7 =	vmul.f32 v7, v5  }
0x2ea: {  	v8 =	vmul.f32 v8, v3  }
0x2eb: {  	v9 =	vmul.f32 v9, v4  }
0x2ec: {  	v7 =	vadd.f32 v8, v7;
	v8 =	vmul.f32 v10, v6;
	_ =	sdelay $0x1  }
0x2ed: {  	v7 =	vadd.f32 v9, v7;
	_ =	sdelay $0x1  }
0x2ee: {  	v7 =	vadd.f32 v8, v7;
	_ =	sdelay $0x1  }
0x2ef: {  	[tilespmem:s7+$0x70] =	vst v7  }
0x2f0: {  	v7 =	vld [tilespmem:s9+$0xE500]  }
0x2f1: {  	v8 =	vld [tilespmem:s9+$0xE940]  }
0x2f2: {  	v9 =	vld [tilespmem:s9+$0xF100]  }
0x2f3: {  	v10 =	vld [tilespmem:s9+$0xF540];
	_ =	sdelay $0x1  }
0x2f4: {  	v7 =	vmul.f32 v7, v5  }
0x2f5: {  	v8 =	vmul.f32 v8, v3  }
0x2f6: {  	v9 =	vmul.f32 v9, v4  }
0x2f7: {  	v7 =	vadd.f32 v8, v7;
	v8 =	vmul.f32 v10, v6;
	_ =	sdelay $0x1  }
0x2f8: {  	v7 =	vadd.f32 v9, v7;
	_ =	sdelay $0x1  }
0x2f9: {  	v7 =	vadd.f32 v8, v7;
	_ =	sdelay $0x1  }
0x2fa: {  	[tilespmem:s7+$0x400] =	vst v7  }
0x2fb: {  	v7 =	vld [tilespmem:s9+$0xE510]  }
0x2fc: {  	v8 =	vld [tilespmem:s9+$0xE950]  }
0x2fd: {  	v9 =	vld [tilespmem:s9+$0xF110]  }
0x2fe: {  	v10 =	vld [tilespmem:s9+$0xF550];
	_ =	sdelay $0x1  }
0x2ff: {  	v7 =	vmul.f32 v7, v5  }
0x300: {  	v8 =	vmul.f32 v8, v3;
	_ =	sdelay $0x1  }
0x301: {  	v7 =	vadd.f32 v8, v7;
	v8 =	vmul.f32 v9, v4;
	v9 =	vmul.f32 v10, v6;
	_ =	sdelay $0x1  }
0x302: {  	v7 =	vadd.f32 v8, v7;
	_ =	sdelay $0x1  }
0x303: {  	v7 =	vadd.f32 v9, v7;
	_ =	sdelay $0x1  }
0x304: {  	[tilespmem:s7+$0x410] =	vst v7  }
0x305: {  	v7 =	vld [tilespmem:s9+$0xE960]  }
0x306: {  	v8 =	vld [tilespmem:s9+$0xE520]  }
0x307: {  	v9 =	vld [tilespmem:s9+$0xF120]  }
0x308: {  	v10 =	vld [tilespmem:s9+$0xF560]  }
.Ltmp6:
0x309: {  	(pc) =	sbr.rel @p0 .LBB2_12-.Ltmp6, $3  }
0x30a: {  	v7 =	vmul.f32 v7, v3  }
0x30b: {  	v8 =	vmul.f32 v8, v5;
	_ =	sdelay $0x1  }
0x30c: {  	v9 =	vmul.f32 v9, v4;
	v8 =	vadd.f32 v7, v8;
	v7 =	vmul.f32 v10, v6  }
0x30d: {  	_ = 	snop  }
0x30e: {  	v8 =	vadd.f32 v9, v8;
	_ =	sdelay $0x1  }
0x30f: {  	v7 =	vadd.f32 v7, v8;
	_ =	sdelay $0x1  }
0x310: {  	[tilespmem:s7+$0x420] =	vst v7  }
0x311: {  	v7 =	vld [tilespmem:s9+$0xE530]  }
0x312: {  	v61 =	vld [tilespmem:s9+$0xE970];
	_ =	sdelay $0x1  }
0x313: {  	v62 =	vld [tilespmem:s9+$0xF130];
	_ =	sdelay $0x1  }
0x314: {  	v10 =	vld [tilespmem:s9+$0xF570]  }
0x315: {  	v5 =	vmul.f32 v7, v5;
	v3 =	vmul.f32 v61, v3;
	_ =	sdelay $0x1  }
0x316: {  	v4 =	vmul.f32 v62, v4;
	v3 =	vadd.f32 v3, v5  }
0x317: {  	s30 =	sadd.s32 $0x1, s30  }
0x318: {  	p0 =	sne.s32 s30, $0x38;
	v63 =	vmul.f32 v10, v6;
	v3 =	vadd.f32 v4, v3  }
.Ltmp7:
0x319: {  	_ = 	snop;
	(pc) =	sbr.rel @p0 .LBB2_2-.Ltmp7, $4  }
0x31a: {  	v3 =	vadd.f32 v63, v3  }
0x31b: {  	s0 =	sshll.u32 s31, $0x5  }
0x31c: {  	s0 =	sadd.s32 s8, s0;
	[tilespmem:s7+$0x430] =	vst v3  }
0x31d: {  	[hbm4b:s0+s3] =	stream.linear.scatter [tilespmem:s28], [sflag:$0x6], $0x3800, $0x38;
	[tilespmem:$0x1F900] =	vst v63  }
0x31e: {  	_ =	swait.ge [sflag:s29], $0x3800  }
0x31f: {  	[sflag:s29] =	ssyncset.done $0x0  }
0x320: {  	[sflag:s29] =	ssyncadd.s32 $0xFFFFC800  }
0x321: {  	_ =	swait.ge [sflag:s26], $0x3800  }
0x322: {  	s1 =	rddreg [dreg:$0x8]  }
0x323: {  	s0 =	rddreg [dreg:$0x7];
	s1 =	sadd.s32 $0x1, s1  }
0x324: {  	p0 =	sne.s32 s1, s0  }
.Ltmp8:
0x325: {  	_ = 	snop;
	(pc) =	sbr.rel @p0 .LBB2_1-.Ltmp8, $3  }
0x326: {  	_ =	sdelay $0x1  }
0x327: {  	[sflag:s26] =	ssyncset.done $0x0  }
0x328: {  	[sflag:s26] =	ssyncadd.s32 $0xFFFFC800  }
0x329: {  	_ =	sfence.sel $0x180000  }
0x32a: {  	[bflag:$0x0] =	sbarrier.arrive $0xFFFF  }
0x32b: {  	_ =	strace $0x90000047  }
0x32c: {  	s0 =	stileid.u32;
	[bflag:$0x2] =	sbarrier.arrive $0xFFFF  }
0x32d: {  	p0 =	sne.s32 s0, $0x0;
	s0 =	rddreg [dreg:$0x2]  }
0x32e: {  	s0 =	sadd.s32 @!p0 $0x100000, s0  }
0x32f: {  	[sflag:s0] =	ssyncadd.tile.s32 @!p0 $0x1;
	_ =	shalt  }
.Lfunc_end2:
_tile_overlayer_lowered:
.L_overlay_start_2:
0x330: {  	(tag) =	ssettag $0x2  }
0x331: {  	s0 =	rddreg [dreg:$0x0];
	s2 =	stileid.u32  }
0x332: {  	s1 =	rddreg [dreg:$0x1];
	p0 =	sne.s32 s2, $0x0  }
0x333: {  	s3 =	rddreg [dreg:$0x2];
	[bflag:$0x3] =	sbarrier.arrive $0xFFFF;
	s2 =	simm.s32 @!p0 $0x1C07  }
0x334: {  	[timem:s3], [sflag:s2] =	dma.local @!p0 [hbm:s0], s1  }
0x335: {  	s0 =	simm.s32 @!p0 $0x7  }
0x336: {  	_ =	swait.ge @!p0 [sflag:s0], s1  }
0x337: {  	s1 =	ssub.s32 @!p0 $0x0, s1;
	[sflag:s0] =	ssyncset.done @!p0 $0x0  }
0x338: {  	[sflag:s0] =	ssyncadd.s32 @!p0 s1  }
0x339: {  	[bflag:$0x3] =	sbarrier.arrive $0xFFFF  }
0x33a: {  	_ =	shalt  }

</sc_bundles>
